<compile_context>
chip_gen: v7x
topology: tpu7x:2x2x1
jax: 0.10.2.dev20260603
libtpu: 0.0.44.dev20260713+nightly
codegen_flags: <defaults>
</compile_context>

<pallas_src>
import functools

import jax
import jax.numpy as jnp
from jax import lax
from jax.experimental import pallas as pl
from jax.experimental.pallas import tpu as pltpu
from jax.experimental.pallas import tpu_sc as plsc

_NC = 2
_NS = 16
_W = _NC * _NS
_K = 80
_LANES = 16
_NPAD = 10240


def _zero_fill(ref, nrows, ncols):
  z = jnp.zeros((_LANES,), jnp.float32)

  def body(r, carry):
    for c in range(ncols // _LANES):
      ref[r, pl.ds(c * _LANES, _LANES)] = z
    return carry

  lax.fori_loop(0, nrows, body, 0)


def _ones_fill(ref, nrows, ncols):
  o = jnp.ones((_LANES,), jnp.float32)

  def body(r, carry):
    for c in range(ncols // _LANES):
      ref[r, pl.ds(c * _LANES, _LANES)] = o
    return carry

  lax.fori_loop(0, nrows, body, 0)


def _make_deg_kernel(e):
  n = _NPAD
  epw = e // _W
  c_chunks = epw // _K
  rpt = n // _NS
  zrows = 16
  mesh = plsc.VectorSubcoreMesh(core_axis_name="c", subcore_axis_name="s")

  def body(dst_hbm, out_hbm, acc_sp, zb, onesb, dstv, sem_s):
    cid = lax.axis_index("c")
    sid = lax.axis_index("s")
    w = cid * _NS + sid
    base = sid * rpt
    _zero_fill(zb, zrows, _LANES)

    def zcopy(i, carry):
      off = pl.multiple_of(base + i * zrows, zrows)
      pltpu.sync_copy(zb, acc_sp.at[pl.ds(off, zrows), :])
      return carry

    lax.fori_loop(0, rpt // zrows, zcopy, 0)
    _ones_fill(onesb, _K, _LANES)
    pltpu.sync_copy(dst_hbm.at[w], dstv)
    plsc.subcore_barrier()

    def chunk(j, carry):
      pltpu.sync_copy(onesb, acc_sp.at[dstv.at[j]], add=True)
      return carry

    lax.fori_loop(0, c_chunks, chunk, 0)
    plsc.subcore_barrier()
    pltpu.sync_copy(acc_sp.at[pl.ds(base, rpt), :],
                    out_hbm.at[cid, pl.ds(base, rpt), :])

  return pl.kernel(
      body,
      out_type=jax.ShapeDtypeStruct((_NC, n, _LANES), jnp.float32),
      mesh=mesh,
      scratch_types=[
          pltpu.VMEM_SHARED((n, _LANES), jnp.float32),
          pltpu.VMEM((zrows, _LANES), jnp.float32),
          pltpu.VMEM((_K, _LANES), jnp.float32),
          pltpu.VMEM((c_chunks, _K), jnp.int32),
          pltpu.SemaphoreType.DMA,
      ],
  )


def _make_agg_kernel(e, d):
  n = _NPAD
  epw = e // _W
  c_chunks = epw // _K
  assert c_chunks % 4 == 1
  rpt = n // _NS
  zrows = 16
  mesh = plsc.VectorSubcoreMesh(core_axis_name="c", subcore_axis_name="s")

  def body(src_hbm, dst_hbm, h_hbm, out_hbm, acc_sp, zb, dstv, srcv, rows_a,
           rows_b, sem_a, sem_b, sem_sa, sem_sb):
    cid = lax.axis_index("c")
    sid = lax.axis_index("s")
    w = cid * _NS + sid
    base = sid * rpt
    _zero_fill(zb, zrows, d)

    def zcopy(i, carry):
      off = pl.multiple_of(base + i * zrows, zrows)
      pltpu.sync_copy(zb, acc_sp.at[pl.ds(off, zrows), :])
      return carry

    lax.fori_loop(0, rpt // zrows, zcopy, 0)
    pltpu.sync_copy(src_hbm.at[pl.ds(w * epw, epw)], srcv)
    pltpu.sync_copy(dst_hbm.at[w], dstv)
    plsc.subcore_barrier()

    def gather(j, rows, sem):
      off = pl.multiple_of(j * _K, _K)
      return pltpu.make_async_copy(
          h_hbm.at[srcv.at[pl.ds(off, _K)]], rows, sem)

    def scatter(j, rows):
      pltpu.sync_copy(rows, acc_sp.at[dstv.at[j]], add=True)

    def chunk(j, carry):
      dj = gather(j, rows_a, sem_a)
      dj.start()
      dj.wait()
      scatter(j, rows_a)
      return carry

    lax.fori_loop(0, c_chunks, chunk, 0)
    plsc.subcore_barrier()
    pltpu.sync_copy(acc_sp.at[pl.ds(base, rpt), :],
                    out_hbm.at[cid, pl.ds(base, rpt), :])

  return pl.kernel(
      body,
      out_type=jax.ShapeDtypeStruct((_NC, n, d), jnp.float32),
      mesh=mesh,
      scratch_types=[
          pltpu.VMEM_SHARED((n, d), jnp.float32),
          pltpu.VMEM((zrows, d), jnp.float32),
          pltpu.VMEM((c_chunks, _K), jnp.int32),
          pltpu.VMEM((epw,), jnp.int32),
          pltpu.VMEM((_K, d), jnp.float32),
          pltpu.VMEM((_K, d), jnp.float32),
          pltpu.SemaphoreType.DMA,
          pltpu.SemaphoreType.DMA,
          pltpu.SemaphoreType.DMA,
          pltpu.SemaphoreType.DMA,
      ],
  )


_BR = 1024


def _dinv_from(degp):
  deg = jnp.sum(degp, axis=(0, 2)) + 1.0
  return lax.rsqrt(deg)


def _tc_b_body(x_ref, w_ref, degp_ref, out_ref):
  dinv = _dinv_from(degp_ref[...])
  h = jnp.dot(x_ref[...], w_ref[...], preferred_element_type=jnp.float32)
  out_ref[...] = h * dinv[:, None]


def _tc_d_body(accp_ref, hs1_ref, degp_ref, b1_ref, w2_ref, out_ref):
  dinv = _dinv_from(degp_ref[...])
  accp = accp_ref[...]
  z = dinv[:, None] * (accp[0] + accp[1] + hs1_ref[...]) + b1_ref[...]
  s = jax.nn.sigmoid(z)
  out_ref[...] = jnp.dot(
      s, w2_ref[...], preferred_element_type=jnp.float32) * dinv[:, None]


def _tc_f_body(accp_ref, hs2_ref, degp_ref, b2_ref, out_ref, *, d_out):
  dinv = _dinv_from(degp_ref[...])
  accp = accp_ref[...]
  z = dinv[:, None] * (accp[0] + accp[1] + hs2_ref[...]) + b2_ref[...]
  col = lax.broadcasted_iota(jnp.int32, z.shape, 1)
  mask = col < d_out
  zm = jnp.where(mask, z, jnp.float32(-1e30))
  m = jnp.max(zm, axis=1, keepdims=True)
  ex = jnp.where(mask, jnp.exp(zm - m), 0.0)
  lse = jnp.log(jnp.sum(ex, axis=1, keepdims=True))
  out_ref[...] = zm - m - lse


def kernel(x, edge_index, W1, b1, W2, b2):
  n, d_in = x.shape
  e = edge_index.shape[1]
  d_hid = W1.shape[1]
  d_out = W2.shape[1]
  d2 = 128
  npad = _NPAD

  xp = jnp.pad(x, ((0, npad - n), (0, 0)))
  src = edge_index[0]
  dst3d = edge_index[1].reshape(_W, -1, _K)

  w2p = jnp.pad(W2, ((0, 0), (0, d2 - d_out)))
  b1r = b1.reshape(1, d_hid)
  b2r = jnp.pad(b2, (0, d2 - d_out)).reshape(1, d2)

  degp = _make_deg_kernel(e)(dst3d)

  grid = (npad // _BR,)
  hs1 = pl.pallas_call(
      _tc_b_body,
      grid=grid,
      in_specs=[
          pl.BlockSpec((_BR, d_in), lambda i: (i, 0)),
          pl.BlockSpec((d_in, d_hid), lambda i: (0, 0)),
          pl.BlockSpec((_NC, _BR, _LANES), lambda i: (0, i, 0)),
      ],
      out_specs=pl.BlockSpec((_BR, d_hid), lambda i: (i, 0)),
      out_shape=jax.ShapeDtypeStruct((npad, d_hid), jnp.float32),
  )(xp, W1, degp)

  acc1 = _make_agg_kernel(e, d_hid)(src, dst3d, hs1)

  hs2 = pl.pallas_call(
      _tc_d_body,
      grid=grid,
      in_specs=[
          pl.BlockSpec((_NC, _BR, d_hid), lambda i: (0, i, 0)),
          pl.BlockSpec((_BR, d_hid), lambda i: (i, 0)),
          pl.BlockSpec((_NC, _BR, _LANES), lambda i: (0, i, 0)),
          pl.BlockSpec((1, d_hid), lambda i: (0, 0)),
          pl.BlockSpec((d_hid, d2), lambda i: (0, 0)),
      ],
      out_specs=pl.BlockSpec((_BR, d2), lambda i: (i, 0)),
      out_shape=jax.ShapeDtypeStruct((npad, d2), jnp.float32),
  )(acc1, hs1, degp, b1r, w2p)

  acc2 = _make_agg_kernel(e, d2)(src, dst3d, hs2)

  out64 = pl.pallas_call(
      functools.partial(_tc_f_body, d_out=d_out),
      grid=grid,
      in_specs=[
          pl.BlockSpec((_NC, _BR, d2), lambda i: (0, i, 0)),
          pl.BlockSpec((_BR, d2), lambda i: (i, 0)),
          pl.BlockSpec((_NC, _BR, _LANES), lambda i: (0, i, 0)),
          pl.BlockSpec((1, d2), lambda i: (0, 0)),
      ],
      out_specs=pl.BlockSpec((_BR, d2), lambda i: (i, 0)),
      out_shape=jax.ShapeDtypeStruct((npad, d2), jnp.float32),
  )(acc2, hs2, degp, b2r)

  return out64[:n, :d_out]

# --- scband reference (transcript-rebuilt; emitter-appended) ---
"""Pipeline reference for scband-gcn-12824772346537 (READ-ONLY COPY).

The authoritative reference and input builder live on the scoring server;
editing this copy changes nothing except your own understanding.
"""

import jax, jax.numpy as jnp
import numpy as np

N = 10000
E = 320000
D_IN = 128
D_HID = 128
D_OUT = 40


def gcn_conv(x, edge_index, W, b):
    # PyG GCNConv: add self-loops, symmetric normalization, linear transform,
    # scatter-add aggregation, bias.
    n = x.shape[0]
    loop = jnp.arange(n, dtype=edge_index.dtype)
    src = jnp.concatenate([edge_index[0], loop])
    dst = jnp.concatenate([edge_index[1], loop])
    deg = jnp.zeros((n,), dtype=x.dtype).at[dst].add(1.0)
    dinv = jnp.where(deg > 0, deg ** -0.5, 0.0)
    norm = dinv[src] * dinv[dst]
    h = x @ W
    msg = jnp.take(h, src, axis=0) * norm[:, None]
    out = jnp.zeros((n, W.shape[1]), dtype=x.dtype).at[dst].add(msg)
    return out + b


def setup_inputs(seed: int = 0) -> dict:
    key = jax.random.key(seed)
    k1, k2, k3, k4 = jax.random.split(key, 4)
    x = jax.random.normal(k1, (N, D_IN), dtype=jnp.float32)
    edge_index = jax.random.randint(k2, (2, E), 0, N, dtype=jnp.int32)
    W1 = jax.random.normal(k3, (D_IN, D_HID), dtype=jnp.float32) * (1.0 / np.sqrt(D_IN))
    b1 = jnp.zeros((D_HID,), dtype=jnp.float32)
    W2 = jax.random.normal(k4, (D_HID, D_OUT), dtype=jnp.float32) * (1.0 / np.sqrt(D_HID))
    b2 = jnp.zeros((D_OUT,), dtype=jnp.float32)
    return {"x": x, "edge_index": edge_index, "W1": W1, "b1": b1, "W2": W2, "b2": b2}


def reference(x, edge_index, W1, b1, W2, b2):
    h = gcn_conv(x, edge_index, W1, b1)
    h = jax.nn.sigmoid(h)
    # F.dropout(p=0.5, training=self.training) -> identity in eval mode
    h = gcn_conv(h, edge_index, W2, b2)
    return jax.nn.log_softmax(h, axis=1)

if __name__ == "__main__":
    import jax
    _d = setup_inputs()
    print(jax.jit(kernel)(*tuple(_d.values())))

</pallas_src>

<mosaic_0001>
#map = affine_map<(d0, d1) -> (0)>
#map1 = affine_map<(d0, d1) -> (0, 0, 0)>
#map2 = affine_map<(d0, d1) -> (0, 0)>
module attributes {stable_mosaic.version = 14 : i64} {
  func.func @body(%arg0: i32, %arg1: i32, %arg2: memref<320000xi32, #tpu.memory_space<hbm>>, %arg3: memref<32x125x80xi32, #tpu.memory_space<hbm>>, %arg4: memref<10240x128xf32, #tpu.memory_space<hbm>>, %arg5: memref<2x10240x128xf32, #tpu.memory_space<hbm>>, %arg6: memref<10240x128xf32, #tpu.memory_space<vmem_shared>>, %arg7: memref<16x128xf32, #tpu.memory_space<vmem>>, %arg8: memref<125x80xi32, #tpu.memory_space<vmem>>, %arg9: memref<10000xi32, #tpu.memory_space<vmem>>, %arg10: memref<80x128xf32, #tpu.memory_space<vmem>>, %arg11: memref<80x128xf32, #tpu.memory_space<vmem>>, %arg12: memref<!tpu.dma_semaphore, #tpu.memory_space<semaphore_mem>>, %arg13: memref<!tpu.dma_semaphore, #tpu.memory_space<semaphore_mem>>, %arg14: memref<!tpu.dma_semaphore, #tpu.memory_space<semaphore_mem>>, %arg15: memref<!tpu.dma_semaphore, #tpu.memory_space<semaphore_mem>>) attributes {dimension_semantics = [#tpu.dimension_semantics<core_parallel>, #tpu.dimension_semantics<subcore_parallel>], iteration_bounds = array<i64: 2, 16>, scalar_prefetch = 0 : i64, scratch_operands = 10 : i64, tpu.core_type = #tpu.core_type<sc_vector_subcore>, window_params = [{transform_indices = #map}, {transform_indices = #map1}, {transform_indices = #map2}, {transform_indices = #map1}]} {
    %mul3A = arith.constant 16 : i32
    %mul3A_0 = arith.muli %arg0, %mul3A : i32
    %add3A = arith.addi %mul3A_0, %arg1 : i32
    %mul3A_1 = arith.constant 640 : i32
    %mul3A_2 = arith.muli %arg1, %mul3A_1 : i32
    %broadcast_in_dim3A = arith.constant 0.000000e+00 : f32
    %broadcast_in_dim3A_3 = vector.broadcast %broadcast_in_dim3A : f32 to vector<16xf32>
    %scan3A = arith.constant 0 : i32
    %scan3A_4 = arith.constant 0 : i32
    %scan3A_5 = arith.constant 16 : i32
    %scan3A_6 = arith.addi %scan3A_4, %scan3A_5 : i32
    %scan3A_7 = arith.constant 1 : i32
    scf.for %scan3A_24 = %scan3A_4 to %scan3A_6 step %scan3A_7  : i32 {
      %swap3A = arith.index_cast %scan3A_24 : i32 to index
      %swap3A_25 = arith.constant 0 : index
      %swap3A_26 = tpu.vector_load %arg7[%swap3A, %swap3A_25] {strides = array<i32>} : memref<16x128xf32, #tpu.memory_space<vmem>>, vector<1x16xf32>,
      %swap3A_27 = vector.shape_cast %swap3A_26 : vector<1x16xf32> to vector<16xf32>
      %swap3A_28 = vector.shape_cast %broadcast_in_dim3A_3 : vector<16xf32> to vector<1x16xf32>
      tpu.vector_store %arg7[%swap3A, %swap3A_25], %swap3A_28 {strides = array<i32>} : memref<16x128xf32, #tpu.memory_space<vmem>>, vector<1x16xf32>,
      %swap3A_29 = arith.index_cast %scan3A_24 : i32 to index
      %swap3A_30 = arith.constant 16 : index
      %swap3A_31 = tpu.vector_load %arg7[%swap3A_29, %swap3A_30] {strides = array<i32>} : memref<16x128xf32, #tpu.memory_space<vmem>>, vector<1x16xf32>,
      %swap3A_32 = vector.shape_cast %swap3A_31 : vector<1x16xf32> to vector<16xf32>
      %swap3A_33 = vector.shape_cast %broadcast_in_dim3A_3 : vector<16xf32> to vector<1x16xf32>
      tpu.vector_store %arg7[%swap3A_29, %swap3A_30], %swap3A_33 {strides = array<i32>} : memref<16x128xf32, #tpu.memory_space<vmem>>, vector<1x16xf32>,
      %swap3A_34 = arith.index_cast %scan3A_24 : i32 to index
      %swap3A_35 = arith.constant 32 : index
      %swap3A_36 = tpu.vector_load %arg7[%swap3A_34, %swap3A_35] {strides = array<i32>} : memref<16x128xf32, #tpu.memory_space<vmem>>, vector<1x16xf32>,
      %swap3A_37 = vector.shape_cast %swap3A_36 : vector<1x16xf32> to vector<16xf32>
      %swap3A_38 = vector.shape_cast %broadcast_in_dim3A_3 : vector<16xf32> to vector<1x16xf32>
      tpu.vector_store %arg7[%swap3A_34, %swap3A_35], %swap3A_38 {strides = array<i32>} : memref<16x128xf32, #tpu.memory_space<vmem>>, vector<1x16xf32>,
      %swap3A_39 = arith.index_cast %scan3A_24 : i32 to index
      %swap3A_40 = arith.constant 48 : index
      %swap3A_41 = tpu.vector_load %arg7[%swap3A_39, %swap3A_40] {strides = array<i32>} : memref<16x128xf32, #tpu.memory_space<vmem>>, vector<1x16xf32>,
      %swap3A_42 = vector.shape_cast %swap3A_41 : vector<1x16xf32> to vector<16xf32>
      %swap3A_43 = vector.shape_cast %broadcast_in_dim3A_3 : vector<16xf32> to vector<1x16xf32>
      tpu.vector_store %arg7[%swap3A_39, %swap3A_40], %swap3A_43 {strides = array<i32>} : memref<16x128xf32, #tpu.memory_space<vmem>>, vector<1x16xf32>,
      %swap3A_44 = arith.index_cast %scan3A_24 : i32 to index
      %swap3A_45 = arith.constant 64 : index
      %swap3A_46 = tpu.vector_load %arg7[%swap3A_44, %swap3A_45] {strides = array<i32>} : memref<16x128xf32, #tpu.memory_space<vmem>>, vector<1x16xf32>,
      %swap3A_47 = vector.shape_cast %swap3A_46 : vector<1x16xf32> to vector<16xf32>
      %swap3A_48 = vector.shape_cast %broadcast_in_dim3A_3 : vector<16xf32> to vector<1x16xf32>
      tpu.vector_store %arg7[%swap3A_44, %swap3A_45], %swap3A_48 {strides = array<i32>} : memref<16x128xf32, #tpu.memory_space<vmem>>, vector<1x16xf32>,
      %swap3A_49 = arith.index_cast %scan3A_24 : i32 to index
      %swap3A_50 = arith.constant 80 : index
      %swap3A_51 = tpu.vector_load %arg7[%swap3A_49, %swap3A_50] {strides = array<i32>} : memref<16x128xf32, #tpu.memory_space<vmem>>, vector<1x16xf32>,
      %swap3A_52 = vector.shape_cast %swap3A_51 : vector<1x16xf32> to vector<16xf32>
      %swap3A_53 = vector.shape_cast %broadcast_in_dim3A_3 : vector<16xf32> to vector<1x16xf32>
      tpu.vector_store %arg7[%swap3A_49, %swap3A_50], %swap3A_53 {strides = array<i32>} : memref<16x128xf32, #tpu.memory_space<vmem>>, vector<1x16xf32>,
      %swap3A_54 = arith.index_cast %scan3A_24 : i32 to index
      %swap3A_55 = arith.constant 96 : index
      %swap3A_56 = tpu.vector_load %arg7[%swap3A_54, %swap3A_55] {strides = array<i32>} : memref<16x128xf32, #tpu.memory_space<vmem>>, vector<1x16xf32>,
      %swap3A_57 = vector.shape_cast %swap3A_56 : vector<1x16xf32> to vector<16xf32>
      %swap3A_58 = vector.shape_cast %broadcast_in_dim3A_3 : vector<16xf32> to vector<1x16xf32>
      tpu.vector_store %arg7[%swap3A_54, %swap3A_55], %swap3A_58 {strides = array<i32>} : memref<16x128xf32, #tpu.memory_space<vmem>>, vector<1x16xf32>,
      %swap3A_59 = arith.index_cast %scan3A_24 : i32 to index
      %swap3A_60 = arith.constant 112 : index
      %swap3A_61 = tpu.vector_load %arg7[%swap3A_59, %swap3A_60] {strides = array<i32>} : memref<16x128xf32, #tpu.memory_space<vmem>>, vector<1x16xf32>,
      %swap3A_62 = vector.shape_cast %swap3A_61 : vector<1x16xf32> to vector<16xf32>
      %swap3A_63 = vector.shape_cast %broadcast_in_dim3A_3 : vector<16xf32> to vector<1x16xf32>
      tpu.vector_store %arg7[%swap3A_59, %swap3A_60], %swap3A_63 {strides = array<i32>} : memref<16x128xf32, #tpu.memory_space<vmem>>, vector<1x16xf32>,
    }
    %scan3A_8 = arith.constant 16 : i32
    %scan3A_9 = arith.constant 0 : i32
    %scan3A_10 = arith.constant 0 : i32
    %scan3A_11 = arith.constant 40 : i32
    %scan3A_12 = arith.addi %scan3A_10, %scan3A_11 : i32
    %scan3A_13 = arith.constant 1 : i32
    scf.for %scan3A_24 = %scan3A_10 to %scan3A_12 step %scan3A_13  : i32 {
      %mul3A_25 = arith.constant 16 : i32
      %mul3A_26 = arith.muli %scan3A_24, %mul3A_25 : i32
      %add3A_27 = arith.addi %mul3A_2, %mul3A_26 : i32
      %multiple_of3A = tpu.assume_multiple %add3A_27, 16 : i32
      "tpu.region"() ({
        %run_scoped3A = tpu.sem_alloc : memref<!tpu.dma_semaphore, #tpu.memory_space<semaphore_mem>>
        %dma_start3A = arith.constant 0 : i32
        %dma_start3A_28 = tpu.memref_slice %arg6[%multiple_of3A, %dma_start3A] : memref<10240x128xf32, #tpu.memory_space<vmem_shared>> -> memref<16x128xf32, #tpu.memory_space<vmem_shared>>
        %dma_start3A_29 = arith.constant 0 : i32
        %dma_start3A_30 = tpu.memref_slice %arg6[%multiple_of3A, %dma_start3A_29] : memref<10240x128xf32, #tpu.memory_space<vmem_shared>> -> memref<16x128xf32, #tpu.memory_space<vmem_shared>>
        tpu.enqueue_dma source(%arg7 : memref<16x128xf32, #tpu.memory_space<vmem>>) target(%dma_start3A_30 : memref<16x128xf32, #tpu.memory_space<vmem_shared>>) target_semaphore(%run_scoped3A : memref<!tpu.dma_semaphore, #tpu.memory_space<semaphore_mem>>)
        %dma_wait3A = arith.constant 0 : i32
        %dma_wait3A_31 = tpu.memref_slice %arg6[%multiple_of3A, %dma_wait3A] : memref<10240x128xf32, #tpu.memory_space<vmem_shared>> -> memref<16x128xf32, #tpu.memory_space<vmem_shared>>
        %dma_wait3A_32 = arith.constant 0 : i32
        %dma_wait3A_33 = tpu.memref_slice %arg6[%multiple_of3A, %dma_wait3A_32] : memref<10240x128xf32, #tpu.memory_space<vmem_shared>> -> memref<16x128xf32, #tpu.memory_space<vmem_shared>>
        tpu.wait_dma2 semaphore(%run_scoped3A : memref<!tpu.dma_semaphore, #tpu.memory_space<semaphore_mem>>) src(%arg7 : memref<16x128xf32, #tpu.memory_space<vmem>>) dst(%dma_wait3A_33 : memref<16x128xf32, #tpu.memory_space<vmem_shared>>)
        tpu.yield
      }) : () -> ()
    }
    %scan3A_14 = arith.constant 40 : i32
    %mul3A_15 = arith.constant 10000 : i32
    %mul3A_16 = arith.muli %add3A, %mul3A_15 : i32
    "tpu.region"() ({
      %run_scoped3A = tpu.sem_alloc : memref<!tpu.dma_semaphore, #tpu.memory_space<semaphore_mem>>
      %dma_start3A = tpu.memref_slice %arg2[%mul3A_16] : memref<320000xi32, #tpu.memory_space<hbm>> -> memref<10000xi32, #tpu.memory_space<hbm>>
      %dma_start3A_24 = tpu.memref_slice %arg2[%mul3A_16] : memref<320000xi32, #tpu.memory_space<hbm>> -> memref<10000xi32, #tpu.memory_space<hbm>>
      tpu.enqueue_dma source(%dma_start3A_24 : memref<10000xi32, #tpu.memory_space<hbm>>) target(%arg9 : memref<10000xi32, #tpu.memory_space<vmem>>) target_semaphore(%run_scoped3A : memref<!tpu.dma_semaphore, #tpu.memory_space<semaphore_mem>>)
      %dma_wait3A = tpu.memref_slice %arg2[%mul3A_16] : memref<320000xi32, #tpu.memory_space<hbm>> -> memref<10000xi32, #tpu.memory_space<hbm>>
      %dma_wait3A_25 = tpu.memref_slice %arg2[%mul3A_16] : memref<320000xi32, #tpu.memory_space<hbm>> -> memref<10000xi32, #tpu.memory_space<hbm>>
      tpu.wait_dma2 semaphore(%run_scoped3A : memref<!tpu.dma_semaphore, #tpu.memory_space<semaphore_mem>>) src(%dma_wait3A_25 : memref<10000xi32, #tpu.memory_space<hbm>>) dst(%arg9 : memref<10000xi32, #tpu.memory_space<vmem>>)
      tpu.yield
    }) : () -> ()
    "tpu.region"() ({
      %run_scoped3A = tpu.sem_alloc : memref<!tpu.dma_semaphore, #tpu.memory_space<semaphore_mem>>
      %dma_start3A = arith.constant 0 : i32
      %dma_start3A_24 = arith.constant 0 : i32
      %dma_start3A_25 = tpu.memref_slice %arg3[%add3A, %dma_start3A, %dma_start3A_24] : memref<32x125x80xi32, #tpu.memory_space<hbm>> -> memref<1x125x80xi32, #tpu.memory_space<hbm>>
      %dma_start3A_26 = tpu.memref_squeeze %dma_start3A_25 : memref<1x125x80xi32, #tpu.memory_space<hbm>> -> memref<125x80xi32, #tpu.memory_space<hbm>>
      %dma_start3A_27 = arith.constant 0 : i32
      %dma_start3A_28 = arith.constant 0 : i32
      %dma_start3A_29 = tpu.memref_slice %arg3[%add3A, %dma_start3A_27, %dma_start3A_28] : memref<32x125x80xi32, #tpu.memory_space<hbm>> -> memref<1x125x80xi32, #tpu.memory_space<hbm>>
      %dma_start3A_30 = tpu.memref_squeeze %dma_start3A_29 : memref<1x125x80xi32, #tpu.memory_space<hbm>> -> memref<125x80xi32, #tpu.memory_space<hbm>>
      tpu.enqueue_dma source(%dma_start3A_30 : memref<125x80xi32, #tpu.memory_space<hbm>>) target(%arg8 : memref<125x80xi32, #tpu.memory_space<vmem>>) target_semaphore(%run_scoped3A : memref<!tpu.dma_semaphore, #tpu.memory_space<semaphore_mem>>)
      %dma_wait3A = arith.constant 0 : i32
      %dma_wait3A_31 = arith.constant 0 : i32
      %dma_wait3A_32 = tpu.memref_slice %arg3[%add3A, %dma_wait3A, %dma_wait3A_31] : memref<32x125x80xi32, #tpu.memory_space<hbm>> -> memref<1x125x80xi32, #tpu.memory_space<hbm>>
      %dma_wait3A_33 = tpu.memref_squeeze %dma_wait3A_32 : memref<1x125x80xi32, #tpu.memory_space<hbm>> -> memref<125x80xi32, #tpu.memory_space<hbm>>
      %dma_wait3A_34 = arith.constant 0 : i32
      %dma_wait3A_35 = arith.constant 0 : i32
      %dma_wait3A_36 = tpu.memref_slice %arg3[%add3A, %dma_wait3A_34, %dma_wait3A_35] : memref<32x125x80xi32, #tpu.memory_space<hbm>> -> memref<1x125x80xi32, #tpu.memory_space<hbm>>
      %dma_wait3A_37 = tpu.memref_squeeze %dma_wait3A_36 : memref<1x125x80xi32, #tpu.memory_space<hbm>> -> memref<125x80xi32, #tpu.memory_space<hbm>>
      tpu.wait_dma2 semaphore(%run_scoped3A : memref<!tpu.dma_semaphore, #tpu.memory_space<semaphore_mem>>) src(%dma_wait3A_37 : memref<125x80xi32, #tpu.memory_space<hbm>>) dst(%arg8 : memref<125x80xi32, #tpu.memory_space<vmem>>)
      tpu.yield
    }) : () -> ()
    %barrier3A = arith.constant 0 : index
    tpu.barrier barrier_id(%barrier3A)
    %scan3A_17 = arith.constant 0 : i32
    %scan3A_18 = arith.constant 0 : i32
    %scan3A_19 = arith.constant 125 : i32
    %scan3A_20 = arith.addi %scan3A_18, %scan3A_19 : i32
    %scan3A_21 = arith.constant 1 : i32
    scf.for %scan3A_24 = %scan3A_18 to %scan3A_20 step %scan3A_21  : i32 {
      %mul3A_25 = arith.constant 80 : i32
      %mul3A_26 = arith.muli %scan3A_24, %mul3A_25 : i32
      %multiple_of3A = tpu.assume_multiple %mul3A_26, 80 : i32
      %dma_start3A = tpu.memref_slice %arg9[%multiple_of3A] : memref<10000xi32, #tpu.memory_space<vmem>> -> memref<80xi32, #tpu.memory_space<vmem>>
      %dma_start3A_27 = arith.constant 0 : i32
      %dma_start3A_28 = arith.constant 0 : i32
      %dma_start3A_29 = tpu.memref_slice %arg4[%dma_start3A_27, %dma_start3A_28] : memref<10240x128xf32, #tpu.memory_space<hbm>> -> memref<10240x128xf32, #tpu.memory_space<hbm>>
      tpu.enqueue_indirect_dma source(%dma_start3A_29 : memref<10240x128xf32, #tpu.memory_space<hbm>>) target(%arg10 : memref<80x128xf32, #tpu.memory_space<vmem>>) offsets(%dma_start3A : memref<80xi32, #tpu.memory_space<vmem>>) semaphore(%arg12 : memref<!tpu.dma_semaphore, #tpu.memory_space<semaphore_mem>>)
      %dma_wait3A = tpu.memref_slice %arg9[%multiple_of3A] : memref<10000xi32, #tpu.memory_space<vmem>> -> memref<80xi32, #tpu.memory_space<vmem>>
      %dma_wait3A_30 = arith.constant 0 : i32
      %dma_wait3A_31 = arith.constant 0 : i32
      %dma_wait3A_32 = tpu.memref_slice %arg4[%dma_wait3A_30, %dma_wait3A_31] : memref<10240x128xf32, #tpu.memory_space<hbm>> -> memref<10240x128xf32, #tpu.memory_space<hbm>>
      tpu.wait_indirect_dma semaphore(%arg12 : memref<!tpu.dma_semaphore, #tpu.memory_space<semaphore_mem>>) src(%dma_wait3A_32 : memref<10240x128xf32, #tpu.memory_space<hbm>>) dst(%arg10 : memref<80x128xf32, #tpu.memory_space<vmem>>)
      "tpu.region"() ({
        %run_scoped3A = tpu.sem_alloc : memref<!tpu.dma_semaphore, #tpu.memory_space<semaphore_mem>>
        %dma_start3A_33 = arith.constant 0 : i32
        %dma_start3A_34 = tpu.memref_slice %arg8[%scan3A_24, %dma_start3A_33] : memref<125x80xi32, #tpu.memory_space<vmem>> -> memref<1x80xi32, #tpu.memory_space<vmem>>
        %dma_start3A_35 = tpu.memref_squeeze %dma_start3A_34 : memref<1x80xi32, #tpu.memory_space<vmem>> -> memref<80xi32, #tpu.memory_space<vmem>>
        %dma_start3A_36 = arith.constant 0 : i32
        %dma_start3A_37 = arith.constant 0 : i32
        %dma_start3A_38 = tpu.memref_slice %arg6[%dma_start3A_36, %dma_start3A_37] : memref<10240x128xf32, #tpu.memory_space<vmem_shared>> -> memref<10240x128xf32, #tpu.memory_space<vmem_shared>>
        tpu.enqueue_indirect_dma source(%arg10 : memref<80x128xf32, #tpu.memory_space<vmem>>) target(%dma_start3A_38 : memref<10240x128xf32, #tpu.memory_space<vmem_shared>>) offsets(%dma_start3A_35 : memref<80xi32, #tpu.memory_space<vmem>>) semaphore(%run_scoped3A : memref<!tpu.dma_semaphore, #tpu.memory_space<semaphore_mem>>) {add = true}
        %dma_wait3A_39 = arith.constant 0 : i32
        %dma_wait3A_40 = tpu.memref_slice %arg8[%scan3A_24, %dma_wait3A_39] : memref<125x80xi32, #tpu.memory_space<vmem>> -> memref<1x80xi32, #tpu.memory_space<vmem>>
        %dma_wait3A_41 = tpu.memref_squeeze %dma_wait3A_40 : memref<1x80xi32, #tpu.memory_space<vmem>> -> memref<80xi32, #tpu.memory_space<vmem>>
        %dma_wait3A_42 = arith.constant 0 : i32
        %dma_wait3A_43 = arith.constant 0 : i32
        %dma_wait3A_44 = tpu.memref_slice %arg6[%dma_wait3A_42, %dma_wait3A_43] : memref<10240x128xf32, #tpu.memory_space<vmem_shared>> -> memref<10240x128xf32, #tpu.memory_space<vmem_shared>>
        tpu.wait_indirect_dma semaphore(%run_scoped3A : memref<!tpu.dma_semaphore, #tpu.memory_space<semaphore_mem>>) src(%arg10 : memref<80x128xf32, #tpu.memory_space<vmem>>) dst(%dma_wait3A_44 : memref<10240x128xf32, #tpu.memory_space<vmem_shared>>)
        tpu.yield
      }) : () -> ()
    }
    %scan3A_22 = arith.constant 125 : i32
    %barrier3A_23 = arith.constant 0 : index
    tpu.barrier barrier_id(%barrier3A_23)
    "tpu.region"() ({
      %run_scoped3A = tpu.sem_alloc : memref<!tpu.dma_semaphore, #tpu.memory_space<semaphore_mem>>
      %dma_start3A = arith.constant 0 : i32
      %dma_start3A_24 = tpu.memref_slice %arg5[%arg0, %mul3A_2, %dma_start3A] : memref<2x10240x128xf32, #tpu.memory_space<hbm>> -> memref<1x640x128xf32, #tpu.memory_space<hbm>>
      %dma_start3A_25 = tpu.memref_squeeze %dma_start3A_24 : memref<1x640x128xf32, #tpu.memory_space<hbm>> -> memref<640x128xf32, #tpu.memory_space<hbm>>
      %dma_start3A_26 = arith.constant 0 : i32
      %dma_start3A_27 = tpu.memref_slice %arg6[%mul3A_2, %dma_start3A_26] : memref<10240x128xf32, #tpu.memory_space<vmem_shared>> -> memref<640x128xf32, #tpu.memory_space<vmem_shared>>
      tpu.enqueue_dma source(%dma_start3A_27 : memref<640x128xf32, #tpu.memory_space<vmem_shared>>) target(%dma_start3A_25 : memref<640x128xf32, #tpu.memory_space<hbm>>) target_semaphore(%run_scoped3A : memref<!tpu.dma_semaphore, #tpu.memory_space<semaphore_mem>>)
      %dma_wait3A = arith.constant 0 : i32
      %dma_wait3A_28 = tpu.memref_slice %arg5[%arg0, %mul3A_2, %dma_wait3A] : memref<2x10240x128xf32, #tpu.memory_space<hbm>> -> memref<1x640x128xf32, #tpu.memory_space<hbm>>
      %dma_wait3A_29 = tpu.memref_squeeze %dma_wait3A_28 : memref<1x640x128xf32, #tpu.memory_space<hbm>> -> memref<640x128xf32, #tpu.memory_space<hbm>>
      %dma_wait3A_30 = arith.constant 0 : i32
      %dma_wait3A_31 = tpu.memref_slice %arg6[%mul3A_2, %dma_wait3A_30] : memref<10240x128xf32, #tpu.memory_space<vmem_shared>> -> memref<640x128xf32, #tpu.memory_space<vmem_shared>>
      tpu.wait_dma2 semaphore(%run_scoped3A : memref<!tpu.dma_semaphore, #tpu.memory_space<semaphore_mem>>) src(%dma_wait3A_31 : memref<640x128xf32, #tpu.memory_space<vmem_shared>>) dst(%dma_wait3A_29 : memref<640x128xf32, #tpu.memory_space<hbm>>)
      tpu.yield
    }) : () -> ()
    return
  }
}

#map = affine_map<(d0, d1) -> (0)>
#map1 = affine_map<(d0, d1) -> (0, 0, 0)>
#map2 = affine_map<(d0, d1) -> (0, 0)>
module attributes {stable_mosaic.version = 14 : i64} {
  func.func @body(%arg0: i32, %arg1: i32, %arg2: memref<320000xi32, #tpu.memory_space<hbm>>, %arg3: memref<32x125x80xi32, #tpu.memory_space<hbm>>, %arg4: memref<10240x128xf32, #tpu.memory_space<hbm>>, %arg5: memref<2x10240x128xf32, #tpu.memory_space<hbm>>, %arg6: memref<10240x128xf32, #tpu.memory_space<vmem_shared>>, %arg7: memref<16x128xf32, #tpu.memory_space<vmem>>, %arg8: memref<125x80xi32, #tpu.memory_space<vmem>>, %arg9: memref<10000xi32, #tpu.memory_space<vmem>>, %arg10: memref<80x128xf32, #tpu.memory_space<vmem>>, %arg11: memref<80x128xf32, #tpu.memory_space<vmem>>, %arg12: memref<!tpu.dma_semaphore, #tpu.memory_space<semaphore_mem>>, %arg13: memref<!tpu.dma_semaphore, #tpu.memory_space<semaphore_mem>>, %arg14: memref<!tpu.dma_semaphore, #tpu.memory_space<semaphore_mem>>, %arg15: memref<!tpu.dma_semaphore, #tpu.memory_space<semaphore_mem>>) attributes {dimension_semantics = [#tpu.dimension_semantics<core_parallel>, #tpu.dimension_semantics<subcore_parallel>], iteration_bounds = array<i64: 2, 16>, scalar_prefetch = 0 : i64, scratch_operands = 10 : i64, tpu.core_type = #tpu.core_type<sc_vector_subcore>, window_params = [{transform_indices = #map}, {transform_indices = #map1}, {transform_indices = #map2}, {transform_indices = #map1}]} {
    %mul3A = arith.constant 16 : i32
    %mul3A_0 = arith.muli %arg0, %mul3A : i32
    %add3A = arith.addi %mul3A_0, %arg1 : i32
    %mul3A_1 = arith.constant 640 : i32
    %mul3A_2 = arith.muli %arg1, %mul3A_1 : i32
    %broadcast_in_dim3A = arith.constant 0.000000e+00 : f32
    %broadcast_in_dim3A_3 = vector.broadcast %broadcast_in_dim3A : f32 to vector<16xf32>
    %scan3A = arith.constant 0 : i32
    %scan3A_4 = arith.constant 0 : i32
    %scan3A_5 = arith.constant 16 : i32
    %scan3A_6 = arith.addi %scan3A_4, %scan3A_5 : i32
    %scan3A_7 = arith.constant 1 : i32
    scf.for %scan3A_24 = %scan3A_4 to %scan3A_6 step %scan3A_7  : i32 {
      %swap3A = arith.index_cast %scan3A_24 : i32 to index
      %swap3A_25 = arith.constant 0 : index
      %swap3A_26 = tpu.vector_load %arg7[%swap3A, %swap3A_25] {strides = array<i32>} : memref<16x128xf32, #tpu.memory_space<vmem>>, vector<1x16xf32>,
      %swap3A_27 = vector.shape_cast %swap3A_26 : vector<1x16xf32> to vector<16xf32>
      %swap3A_28 = vector.shape_cast %broadcast_in_dim3A_3 : vector<16xf32> to vector<1x16xf32>
      tpu.vector_store %arg7[%swap3A, %swap3A_25], %swap3A_28 {strides = array<i32>} : memref<16x128xf32, #tpu.memory_space<vmem>>, vector<1x16xf32>,
      %swap3A_29 = arith.index_cast %scan3A_24 : i32 to index
      %swap3A_30 = arith.constant 16 : index
      %swap3A_31 = tpu.vector_load %arg7[%swap3A_29, %swap3A_30] {strides = array<i32>} : memref<16x128xf32, #tpu.memory_space<vmem>>, vector<1x16xf32>,
      %swap3A_32 = vector.shape_cast %swap3A_31 : vector<1x16xf32> to vector<16xf32>
      %swap3A_33 = vector.shape_cast %broadcast_in_dim3A_3 : vector<16xf32> to vector<1x16xf32>
      tpu.vector_store %arg7[%swap3A_29, %swap3A_30], %swap3A_33 {strides = array<i32>} : memref<16x128xf32, #tpu.memory_space<vmem>>, vector<1x16xf32>,
      %swap3A_34 = arith.index_cast %scan3A_24 : i32 to index
      %swap3A_35 = arith.constant 32 : index
      %swap3A_36 = tpu.vector_load %arg7[%swap3A_34, %swap3A_35] {strides = array<i32>} : memref<16x128xf32, #tpu.memory_space<vmem>>, vector<1x16xf32>,
      %swap3A_37 = vector.shape_cast %swap3A_36 : vector<1x16xf32> to vector<16xf32>
      %swap3A_38 = vector.shape_cast %broadcast_in_dim3A_3 : vector<16xf32> to vector<1x16xf32>
      tpu.vector_store %arg7[%swap3A_34, %swap3A_35], %swap3A_38 {strides = array<i32>} : memref<16x128xf32, #tpu.memory_space<vmem>>, vector<1x16xf32>,
      %swap3A_39 = arith.index_cast %scan3A_24 : i32 to index
      %swap3A_40 = arith.constant 48 : index
      %swap3A_41 = tpu.vector_load %arg7[%swap3A_39, %swap3A_40] {strides = array<i32>} : memref<16x128xf32, #tpu.memory_space<vmem>>, vector<1x16xf32>,
      %swap3A_42 = vector.shape_cast %swap3A_41 : vector<1x16xf32> to vector<16xf32>
      %swap3A_43 = vector.shape_cast %broadcast_in_dim3A_3 : vector<16xf32> to vector<1x16xf32>
      tpu.vector_store %arg7[%swap3A_39, %swap3A_40], %swap3A_43 {strides = array<i32>} : memref<16x128xf32, #tpu.memory_space<vmem>>, vector<1x16xf32>,
      %swap3A_44 = arith.index_cast %scan3A_24 : i32 to index
      %swap3A_45 = arith.constant 64 : index
      %swap3A_46 = tpu.vector_load %arg7[%swap3A_44, %swap3A_45] {strides = array<i32>} : memref<16x128xf32, #tpu.memory_space<vmem>>, vector<1x16xf32>,
      %swap3A_47 = vector.shape_cast %swap3A_46 : vector<1x16xf32> to vector<16xf32>
      %swap3A_48 = vector.shape_cast %broadcast_in_dim3A_3 : vector<16xf32> to vector<1x16xf32>
      tpu.vector_store %arg7[%swap3A_44, %swap3A_45], %swap3A_48 {strides = array<i32>} : memref<16x128xf32, #tpu.memory_space<vmem>>, vector<1x16xf32>,
      %swap3A_49 = arith.index_cast %scan3A_24 : i32 to index
      %swap3A_50 = arith.constant 80 : index
      %swap3A_51 = tpu.vector_load %arg7[%swap3A_49, %swap3A_50] {strides = array<i32>} : memref<16x128xf32, #tpu.memory_space<vmem>>, vector<1x16xf32>,
      %swap3A_52 = vector.shape_cast %swap3A_51 : vector<1x16xf32> to vector<16xf32>
      %swap3A_53 = vector.shape_cast %broadcast_in_dim3A_3 : vector<16xf32> to vector<1x16xf32>
      tpu.vector_store %arg7[%swap3A_49, %swap3A_50], %swap3A_53 {strides = array<i32>} : memref<16x128xf32, #tpu.memory_space<vmem>>, vector<1x16xf32>,
      %swap3A_54 = arith.index_cast %scan3A_24 : i32 to index
      %swap3A_55 = arith.constant 96 : index
      %swap3A_56 = tpu.vector_load %arg7[%swap3A_54, %swap3A_55] {strides = array<i32>} : memref<16x128xf32, #tpu.memory_space<vmem>>, vector<1x16xf32>,
      %swap3A_57 = vector.shape_cast %swap3A_56 : vector<1x16xf32> to vector<16xf32>
      %swap3A_58 = vector.shape_cast %broadcast_in_dim3A_3 : vector<16xf32> to vector<1x16xf32>
      tpu.vector_store %arg7[%swap3A_54, %swap3A_55], %swap3A_58 {strides = array<i32>} : memref<16x128xf32, #tpu.memory_space<vmem>>, vector<1x16xf32>,
      %swap3A_59 = arith.index_cast %scan3A_24 : i32 to index
      %swap3A_60 = arith.constant 112 : index
      %swap3A_61 = tpu.vector_load %arg7[%swap3A_59, %swap3A_60] {strides = array<i32>} : memref<16x128xf32, #tpu.memory_space<vmem>>, vector<1x16xf32>,
      %swap3A_62 = vector.shape_cast %swap3A_61 : vector<1x16xf32> to vector<16xf32>
      %swap3A_63 = vector.shape_cast %broadcast_in_dim3A_3 : vector<16xf32> to vector<1x16xf32>
      tpu.vector_store %arg7[%swap3A_59, %swap3A_60], %swap3A_63 {strides = array<i32>} : memref<16x128xf32, #tpu.memory_space<vmem>>, vector<1x16xf32>,
    }
    %scan3A_8 = arith.constant 16 : i32
    %scan3A_9 = arith.constant 0 : i32
    %scan3A_10 = arith.constant 0 : i32
    %scan3A_11 = arith.constant 40 : i32
    %scan3A_12 = arith.addi %scan3A_10, %scan3A_11 : i32
    %scan3A_13 = arith.constant 1 : i32
    scf.for %scan3A_24 = %scan3A_10 to %scan3A_12 step %scan3A_13  : i32 {
      %mul3A_25 = arith.constant 16 : i32
      %mul3A_26 = arith.muli %scan3A_24, %mul3A_25 : i32
      %add3A_27 = arith.addi %mul3A_2, %mul3A_26 : i32
      %multiple_of3A = tpu.assume_multiple %add3A_27, 16 : i32
      "tpu.region"() ({
        %run_scoped3A = tpu.sem_alloc : memref<!tpu.dma_semaphore, #tpu.memory_space<semaphore_mem>>
        %dma_start3A = arith.constant 0 : i32
        %dma_start3A_28 = tpu.memref_slice %arg6[%multiple_of3A, %dma_start3A] : memref<10240x128xf32, #tpu.memory_space<vmem_shared>> -> memref<16x128xf32, #tpu.memory_space<vmem_shared>>
        %dma_start3A_29 = arith.constant 0 : i32
        %dma_start3A_30 = tpu.memref_slice %arg6[%multiple_of3A, %dma_start3A_29] : memref<10240x128xf32, #tpu.memory_space<vmem_shared>> -> memref<16x128xf32, #tpu.memory_space<vmem_shared>>
        tpu.enqueue_dma source(%arg7 : memref<16x128xf32, #tpu.memory_space<vmem>>) target(%dma_start3A_30 : memref<16x128xf32, #tpu.memory_space<vmem_shared>>) target_semaphore(%run_scoped3A : memref<!tpu.dma_semaphore, #tpu.memory_space<semaphore_mem>>)
        %dma_wait3A = arith.constant 0 : i32
        %dma_wait3A_31 = tpu.memref_slice %arg6[%multiple_of3A, %dma_wait3A] : memref<10240x128xf32, #tpu.memory_space<vmem_shared>> -> memref<16x128xf32, #tpu.memory_space<vmem_shared>>
        %dma_wait3A_32 = arith.constant 0 : i32
        %dma_wait3A_33 = tpu.memref_slice %arg6[%multiple_of3A, %dma_wait3A_32] : memref<10240x128xf32, #tpu.memory_space<vmem_shared>> -> memref<16x128xf32, #tpu.memory_space<vmem_shared>>
        tpu.wait_dma2 semaphore(%run_scoped3A : memref<!tpu.dma_semaphore, #tpu.memory_space<semaphore_mem>>) src(%arg7 : memref<16x128xf32, #tpu.memory_space<vmem>>) dst(%dma_wait3A_33 : memref<16x128xf32, #tpu.memory_space<vmem_shared>>)
        tpu.yield
      }) : () -> ()
    }
    %scan3A_14 = arith.constant 40 : i32
    %mul3A_15 = arith.constant 10000 : i32
    %mul3A_16 = arith.muli %add3A, %mul3A_15 : i32
    "tpu.region"() ({
      %run_scoped3A = tpu.sem_alloc : memref<!tpu.dma_semaphore, #tpu.memory_space<semaphore_mem>>
      %dma_start3A = tpu.memref_slice %arg2[%mul3A_16] : memref<320000xi32, #tpu.memory_space<hbm>> -> memref<10000xi32, #tpu.memory_space<hbm>>
      %dma_start3A_24 = tpu.memref_slice %arg2[%mul3A_16] : memref<320000xi32, #tpu.memory_space<hbm>> -> memref<10000xi32, #tpu.memory_space<hbm>>
      tpu.enqueue_dma source(%dma_start3A_24 : memref<10000xi32, #tpu.memory_space<hbm>>) target(%arg9 : memref<10000xi32, #tpu.memory_space<vmem>>) target_semaphore(%run_scoped3A : memref<!tpu.dma_semaphore, #tpu.memory_space<semaphore_mem>>)
      %dma_wait3A = tpu.memref_slice %arg2[%mul3A_16] : memref<320000xi32, #tpu.memory_space<hbm>> -> memref<10000xi32, #tpu.memory_space<hbm>>
      %dma_wait3A_25 = tpu.memref_slice %arg2[%mul3A_16] : memref<320000xi32, #tpu.memory_space<hbm>> -> memref<10000xi32, #tpu.memory_space<hbm>>
      tpu.wait_dma2 semaphore(%run_scoped3A : memref<!tpu.dma_semaphore, #tpu.memory_space<semaphore_mem>>) src(%dma_wait3A_25 : memref<10000xi32, #tpu.memory_space<hbm>>) dst(%arg9 : memref<10000xi32, #tpu.memory_space<vmem>>)
      tpu.yield
    }) : () -> ()
    "tpu.region"() ({
      %run_scoped3A = tpu.sem_alloc : memref<!tpu.dma_semaphore, #tpu.memory_space<semaphore_mem>>
      %dma_start3A = arith.constant 0 : i32
      %dma_start3A_24 = arith.constant 0 : i32
      %dma_start3A_25 = tpu.memref_slice %arg3[%add3A, %dma_start3A, %dma_start3A_24] : memref<32x125x80xi32, #tpu.memory_space<hbm>> -> memref<1x125x80xi32, #tpu.memory_space<hbm>>
      %dma_start3A_26 = tpu.memref_squeeze %dma_start3A_25 : memref<1x125x80xi32, #tpu.memory_space<hbm>> -> memref<125x80xi32, #tpu.memory_space<hbm>>
      %dma_start3A_27 = arith.constant 0 : i32
      %dma_start3A_28 = arith.constant 0 : i32
      %dma_start3A_29 = tpu.memref_slice %arg3[%add3A, %dma_start3A_27, %dma_start3A_28] : memref<32x125x80xi32, #tpu.memory_space<hbm>> -> memref<1x125x80xi32, #tpu.memory_space<hbm>>
      %dma_start3A_30 = tpu.memref_squeeze %dma_start3A_29 : memref<1x125x80xi32, #tpu.memory_space<hbm>> -> memref<125x80xi32, #tpu.memory_space<hbm>>
      tpu.enqueue_dma source(%dma_start3A_30 : memref<125x80xi32, #tpu.memory_space<hbm>>) target(%arg8 : memref<125x80xi32, #tpu.memory_space<vmem>>) target_semaphore(%run_scoped3A : memref<!tpu.dma_semaphore, #tpu.memory_space<semaphore_mem>>)
      %dma_wait3A = arith.constant 0 : i32
      %dma_wait3A_31 = arith.constant 0 : i32
      %dma_wait3A_32 = tpu.memref_slice %arg3[%add3A, %dma_wait3A, %dma_wait3A_31] : memref<32x125x80xi32, #tpu.memory_space<hbm>> -> memref<1x125x80xi32, #tpu.memory_space<hbm>>
      %dma_wait3A_33 = tpu.memref_squeeze %dma_wait3A_32 : memref<1x125x80xi32, #tpu.memory_space<hbm>> -> memref<125x80xi32, #tpu.memory_space<hbm>>
      %dma_wait3A_34 = arith.constant 0 : i32
      %dma_wait3A_35 = arith.constant 0 : i32
      %dma_wait3A_36 = tpu.memref_slice %arg3[%add3A, %dma_wait3A_34, %dma_wait3A_35] : memref<32x125x80xi32, #tpu.memory_space<hbm>> -> memref<1x125x80xi32, #tpu.memory_space<hbm>>
      %dma_wait3A_37 = tpu.memref_squeeze %dma_wait3A_36 : memref<1x125x80xi32, #tpu.memory_space<hbm>> -> memref<125x80xi32, #tpu.memory_space<hbm>>
      tpu.wait_dma2 semaphore(%run_scoped3A : memref<!tpu.dma_semaphore, #tpu.memory_space<semaphore_mem>>) src(%dma_wait3A_37 : memref<125x80xi32, #tpu.memory_space<hbm>>) dst(%arg8 : memref<125x80xi32, #tpu.memory_space<vmem>>)
      tpu.yield
    }) : () -> ()
    %barrier3A = arith.constant 0 : index
    tpu.barrier barrier_id(%barrier3A)
    %scan3A_17 = arith.constant 0 : i32
    %scan3A_18 = arith.constant 0 : i32
    %scan3A_19 = arith.constant 125 : i32
    %scan3A_20 = arith.addi %scan3A_18, %scan3A_19 : i32
    %scan3A_21 = arith.constant 1 : i32
    scf.for %scan3A_24 = %scan3A_18 to %scan3A_20 step %scan3A_21  : i32 {
      %mul3A_25 = arith.constant 80 : i32
      %mul3A_26 = arith.muli %scan3A_24, %mul3A_25 : i32
      %multiple_of3A = tpu.assume_multiple %mul3A_26, 80 : i32
      %dma_start3A = tpu.memref_slice %arg9[%multiple_of3A] : memref<10000xi32, #tpu.memory_space<vmem>> -> memref<80xi32, #tpu.memory_space<vmem>>
      %dma_start3A_27 = arith.constant 0 : i32
      %dma_start3A_28 = arith.constant 0 : i32
      %dma_start3A_29 = tpu.memref_slice %arg4[%dma_start3A_27, %dma_start3A_28] : memref<10240x128xf32, #tpu.memory_space<hbm>> -> memref<10240x128xf32, #tpu.memory_space<hbm>>
      tpu.enqueue_indirect_dma source(%dma_start3A_29 : memref<10240x128xf32, #tpu.memory_space<hbm>>) target(%arg10 : memref<80x128xf32, #tpu.memory_space<vmem>>) offsets(%dma_start3A : memref<80xi32, #tpu.memory_space<vmem>>) semaphore(%arg12 : memref<!tpu.dma_semaphore, #tpu.memory_space<semaphore_mem>>)
      %dma_wait3A = tpu.memref_slice %arg9[%multiple_of3A] : memref<10000xi32, #tpu.memory_space<vmem>> -> memref<80xi32, #tpu.memory_space<vmem>>
      %dma_wait3A_30 = arith.constant 0 : i32
      %dma_wait3A_31 = arith.constant 0 : i32
      %dma_wait3A_32 = tpu.memref_slice %arg4[%dma_wait3A_30, %dma_wait3A_31] : memref<10240x128xf32, #tpu.memory_space<hbm>> -> memref<10240x128xf32, #tpu.memory_space<hbm>>
      tpu.wait_indirect_dma semaphore(%arg12 : memref<!tpu.dma_semaphore, #tpu.memory_space<semaphore_mem>>) src(%dma_wait3A_32 : memref<10240x128xf32, #tpu.memory_space<hbm>>) dst(%arg10 : memref<80x128xf32, #tpu.memory_space<vmem>>)
      "tpu.region"() ({
        %run_scoped3A = tpu.sem_alloc : memref<!tpu.dma_semaphore, #tpu.memory_space<semaphore_mem>>
        %dma_start3A_33 = arith.constant 0 : i32
        %dma_start3A_34 = tpu.memref_slice %arg8[%scan3A_24, %dma_start3A_33] : memref<125x80xi32, #tpu.memory_space<vmem>> -> memref<1x80xi32, #tpu.memory_space<vmem>>
        %dma_start3A_35 = tpu.memref_squeeze %dma_start3A_34 : memref<1x80xi32, #tpu.memory_space<vmem>> -> memref<80xi32, #tpu.memory_space<vmem>>
        %dma_start3A_36 = arith.constant 0 : i32
        %dma_start3A_37 = arith.constant 0 : i32
        %dma_start3A_38 = tpu.memref_slice %arg6[%dma_start3A_36, %dma_start3A_37] : memref<10240x128xf32, #tpu.memory_space<vmem_shared>> -> memref<10240x128xf32, #tpu.memory_space<vmem_shared>>
        tpu.enqueue_indirect_dma source(%arg10 : memref<80x128xf32, #tpu.memory_space<vmem>>) target(%dma_start3A_38 : memref<10240x128xf32, #tpu.memory_space<vmem_shared>>) offsets(%dma_start3A_35 : memref<80xi32, #tpu.memory_space<vmem>>) semaphore(%run_scoped3A : memref<!tpu.dma_semaphore, #tpu.memory_space<semaphore_mem>>) {add = true}
        %dma_wait3A_39 = arith.constant 0 : i32
        %dma_wait3A_40 = tpu.memref_slice %arg8[%scan3A_24, %dma_wait3A_39] : memref<125x80xi32, #tpu.memory_space<vmem>> -> memref<1x80xi32, #tpu.memory_space<vmem>>
        %dma_wait3A_41 = tpu.memref_squeeze %dma_wait3A_40 : memref<1x80xi32, #tpu.memory_space<vmem>> -> memref<80xi32, #tpu.memory_space<vmem>>
        %dma_wait3A_42 = arith.constant 0 : i32
        %dma_wait3A_43 = arith.constant 0 : i32
        %dma_wait3A_44 = tpu.memref_slice %arg6[%dma_wait3A_42, %dma_wait3A_43] : memref<10240x128xf32, #tpu.memory_space<vmem_shared>> -> memref<10240x128xf32, #tpu.memory_space<vmem_shared>>
        tpu.wait_indirect_dma semaphore(%run_scoped3A : memref<!tpu.dma_semaphore, #tpu.memory_space<semaphore_mem>>) src(%arg10 : memref<80x128xf32, #tpu.memory_space<vmem>>) dst(%dma_wait3A_44 : memref<10240x128xf32, #tpu.memory_space<vmem_shared>>)
        tpu.yield
      }) : () -> ()
    }
    %scan3A_22 = arith.constant 125 : i32
    %barrier3A_23 = arith.constant 0 : index
    tpu.barrier barrier_id(%barrier3A_23)
    "tpu.region"() ({
      %run_scoped3A = tpu.sem_alloc : memref<!tpu.dma_semaphore, #tpu.memory_space<semaphore_mem>>
      %dma_start3A = arith.constant 0 : i32
      %dma_start3A_24 = tpu.memref_slice %arg5[%arg0, %mul3A_2, %dma_start3A] : memref<2x10240x128xf32, #tpu.memory_space<hbm>> -> memref<1x640x128xf32, #tpu.memory_space<hbm>>
      %dma_start3A_25 = tpu.memref_squeeze %dma_start3A_24 : memref<1x640x128xf32, #tpu.memory_space<hbm>> -> memref<640x128xf32, #tpu.memory_space<hbm>>
      %dma_start3A_26 = arith.constant 0 : i32
      %dma_start3A_27 = tpu.memref_slice %arg6[%mul3A_2, %dma_start3A_26] : memref<10240x128xf32, #tpu.memory_space<vmem_shared>> -> memref<640x128xf32, #tpu.memory_space<vmem_shared>>
      tpu.enqueue_dma source(%dma_start3A_27 : memref<640x128xf32, #tpu.memory_space<vmem_shared>>) target(%dma_start3A_25 : memref<640x128xf32, #tpu.memory_space<hbm>>) target_semaphore(%run_scoped3A : memref<!tpu.dma_semaphore, #tpu.memory_space<semaphore_mem>>)
      %dma_wait3A = arith.constant 0 : i32
      %dma_wait3A_28 = tpu.memref_slice %arg5[%arg0, %mul3A_2, %dma_wait3A] : memref<2x10240x128xf32, #tpu.memory_space<hbm>> -> memref<1x640x128xf32, #tpu.memory_space<hbm>>
      %dma_wait3A_29 = tpu.memref_squeeze %dma_wait3A_28 : memref<1x640x128xf32, #tpu.memory_space<hbm>> -> memref<640x128xf32, #tpu.memory_space<hbm>>
      %dma_wait3A_30 = arith.constant 0 : i32
      %dma_wait3A_31 = tpu.memref_slice %arg6[%mul3A_2, %dma_wait3A_30] : memref<10240x128xf32, #tpu.memory_space<vmem_shared>> -> memref<640x128xf32, #tpu.memory_space<vmem_shared>>
      tpu.wait_dma2 semaphore(%run_scoped3A : memref<!tpu.dma_semaphore, #tpu.memory_space<semaphore_mem>>) src(%dma_wait3A_31 : memref<640x128xf32, #tpu.memory_space<vmem_shared>>) dst(%dma_wait3A_29 : memref<640x128xf32, #tpu.memory_space<hbm>>)
      tpu.yield
    }) : () -> ()
    return
  }
}

#map = affine_map<(d0, d1) -> (0, 0, 0)>
module attributes {stable_mosaic.version = 14 : i64} {
  func.func @body(%arg0: i32, %arg1: i32, %arg2: memref<32x125x80xi32, #tpu.memory_space<hbm>>, %arg3: memref<2x10240x16xf32, #tpu.memory_space<hbm>>, %arg4: memref<10240x16xf32, #tpu.memory_space<vmem_shared>>, %arg5: memref<16x16xf32, #tpu.memory_space<vmem>>, %arg6: memref<80x16xf32, #tpu.memory_space<vmem>>, %arg7: memref<125x80xi32, #tpu.memory_space<vmem>>, %arg8: memref<!tpu.dma_semaphore, #tpu.memory_space<semaphore_mem>>) attributes {dimension_semantics = [#tpu.dimension_semantics<core_parallel>, #tpu.dimension_semantics<subcore_parallel>], iteration_bounds = array<i64: 2, 16>, scalar_prefetch = 0 : i64, scratch_operands = 5 : i64, tpu.core_type = #tpu.core_type<sc_vector_subcore>, window_params = [{transform_indices = #map}, {transform_indices = #map}]} {
    %mul3A = arith.constant 16 : i32
    %mul3A_0 = arith.muli %arg0, %mul3A : i32
    %add3A = arith.addi %mul3A_0, %arg1 : i32
    %mul3A_1 = arith.constant 640 : i32
    %mul3A_2 = arith.muli %arg1, %mul3A_1 : i32
    %broadcast_in_dim3A = arith.constant 0.000000e+00 : f32
    %broadcast_in_dim3A_3 = vector.broadcast %broadcast_in_dim3A : f32 to vector<16xf32>
    %scan3A = arith.constant 0 : i32
    %scan3A_4 = arith.constant 0 : i32
    %scan3A_5 = arith.constant 16 : i32
    %scan3A_6 = arith.addi %scan3A_4, %scan3A_5 : i32
    %scan3A_7 = arith.constant 1 : i32
    scf.for %scan3A_30 = %scan3A_4 to %scan3A_6 step %scan3A_7  : i32 {
      %swap3A = arith.index_cast %scan3A_30 : i32 to index
      %swap3A_31 = arith.constant 0 : index
      %swap3A_32 = tpu.vector_load %arg5[%swap3A, %swap3A_31] {strides = array<i32>} : memref<16x16xf32, #tpu.memory_space<vmem>>, vector<1x16xf32>,
      %swap3A_33 = vector.shape_cast %swap3A_32 : vector<1x16xf32> to vector<16xf32>
      %swap3A_34 = vector.shape_cast %broadcast_in_dim3A_3 : vector<16xf32> to vector<1x16xf32>
      tpu.vector_store %arg5[%swap3A, %swap3A_31], %swap3A_34 {strides = array<i32>} : memref<16x16xf32, #tpu.memory_space<vmem>>, vector<1x16xf32>,
    }
    %scan3A_8 = arith.constant 16 : i32
    %scan3A_9 = arith.constant 0 : i32
    %scan3A_10 = arith.constant 0 : i32
    %scan3A_11 = arith.constant 40 : i32
    %scan3A_12 = arith.addi %scan3A_10, %scan3A_11 : i32
    %scan3A_13 = arith.constant 1 : i32
    scf.for %scan3A_30 = %scan3A_10 to %scan3A_12 step %scan3A_13  : i32 {
      %mul3A_31 = arith.constant 16 : i32
      %mul3A_32 = arith.muli %scan3A_30, %mul3A_31 : i32
      %add3A_33 = arith.addi %mul3A_2, %mul3A_32 : i32
      %multiple_of3A = tpu.assume_multiple %add3A_33, 16 : i32
      "tpu.region"() ({
        %run_scoped3A = tpu.sem_alloc : memref<!tpu.dma_semaphore, #tpu.memory_space<semaphore_mem>>
        %dma_start3A = arith.constant 0 : i32
        %dma_start3A_34 = tpu.memref_slice %arg4[%multiple_of3A, %dma_start3A] : memref<10240x16xf32, #tpu.memory_space<vmem_shared>> -> memref<16x16xf32, #tpu.memory_space<vmem_shared>>
        %dma_start3A_35 = arith.constant 0 : i32
        %dma_start3A_36 = tpu.memref_slice %arg4[%multiple_of3A, %dma_start3A_35] : memref<10240x16xf32, #tpu.memory_space<vmem_shared>> -> memref<16x16xf32, #tpu.memory_space<vmem_shared>>
        tpu.enqueue_dma source(%arg5 : memref<16x16xf32, #tpu.memory_space<vmem>>) target(%dma_start3A_36 : memref<16x16xf32, #tpu.memory_space<vmem_shared>>) target_semaphore(%run_scoped3A : memref<!tpu.dma_semaphore, #tpu.memory_space<semaphore_mem>>)
        %dma_wait3A = arith.constant 0 : i32
        %dma_wait3A_37 = tpu.memref_slice %arg4[%multiple_of3A, %dma_wait3A] : memref<10240x16xf32, #tpu.memory_space<vmem_shared>> -> memref<16x16xf32, #tpu.memory_space<vmem_shared>>
        %dma_wait3A_38 = arith.constant 0 : i32
        %dma_wait3A_39 = tpu.memref_slice %arg4[%multiple_of3A, %dma_wait3A_38] : memref<10240x16xf32, #tpu.memory_space<vmem_shared>> -> memref<16x16xf32, #tpu.memory_space<vmem_shared>>
        tpu.wait_dma2 semaphore(%run_scoped3A : memref<!tpu.dma_semaphore, #tpu.memory_space<semaphore_mem>>) src(%arg5 : memref<16x16xf32, #tpu.memory_space<vmem>>) dst(%dma_wait3A_39 : memref<16x16xf32, #tpu.memory_space<vmem_shared>>)
        tpu.yield
      }) : () -> ()
    }
    %scan3A_14 = arith.constant 40 : i32
    %broadcast_in_dim3A_15 = arith.constant 1.000000e+00 : f32
    %broadcast_in_dim3A_16 = vector.broadcast %broadcast_in_dim3A_15 : f32 to vector<16xf32>
    %scan3A_17 = arith.constant 0 : i32
    %scan3A_18 = arith.constant 0 : i32
    %scan3A_19 = arith.constant 80 : i32
    %scan3A_20 = arith.addi %scan3A_18, %scan3A_19 : i32
    %scan3A_21 = arith.constant 1 : i32
    scf.for %scan3A_30 = %scan3A_18 to %scan3A_20 step %scan3A_21  : i32 {
      %swap3A = arith.index_cast %scan3A_30 : i32 to index
      %swap3A_31 = arith.constant 0 : index
      %swap3A_32 = tpu.vector_load %arg6[%swap3A, %swap3A_31] {strides = array<i32>} : memref<80x16xf32, #tpu.memory_space<vmem>>, vector<1x16xf32>,
      %swap3A_33 = vector.shape_cast %swap3A_32 : vector<1x16xf32> to vector<16xf32>
      %swap3A_34 = vector.shape_cast %broadcast_in_dim3A_16 : vector<16xf32> to vector<1x16xf32>
      tpu.vector_store %arg6[%swap3A, %swap3A_31], %swap3A_34 {strides = array<i32>} : memref<80x16xf32, #tpu.memory_space<vmem>>, vector<1x16xf32>,
    }
    %scan3A_22 = arith.constant 80 : i32
    "tpu.region"() ({
      %run_scoped3A = tpu.sem_alloc : memref<!tpu.dma_semaphore, #tpu.memory_space<semaphore_mem>>
      %dma_start3A = arith.constant 0 : i32
      %dma_start3A_30 = arith.constant 0 : i32
      %dma_start3A_31 = tpu.memref_slice %arg2[%add3A, %dma_start3A, %dma_start3A_30] : memref<32x125x80xi32, #tpu.memory_space<hbm>> -> memref<1x125x80xi32, #tpu.memory_space<hbm>>
      %dma_start3A_32 = tpu.memref_squeeze %dma_start3A_31 : memref<1x125x80xi32, #tpu.memory_space<hbm>> -> memref<125x80xi32, #tpu.memory_space<hbm>>
      %dma_start3A_33 = arith.constant 0 : i32
      %dma_start3A_34 = arith.constant 0 : i32
      %dma_start3A_35 = tpu.memref_slice %arg2[%add3A, %dma_start3A_33, %dma_start3A_34] : memref<32x125x80xi32, #tpu.memory_space<hbm>> -> memref<1x125x80xi32, #tpu.memory_space<hbm>>
      %dma_start3A_36 = tpu.memref_squeeze %dma_start3A_35 : memref<1x125x80xi32, #tpu.memory_space<hbm>> -> memref<125x80xi32, #tpu.memory_space<hbm>>
      tpu.enqueue_dma source(%dma_start3A_36 : memref<125x80xi32, #tpu.memory_space<hbm>>) target(%arg7 : memref<125x80xi32, #tpu.memory_space<vmem>>) target_semaphore(%run_scoped3A : memref<!tpu.dma_semaphore, #tpu.memory_space<semaphore_mem>>)
      %dma_wait3A = arith.constant 0 : i32
      %dma_wait3A_37 = arith.constant 0 : i32
      %dma_wait3A_38 = tpu.memref_slice %arg2[%add3A, %dma_wait3A, %dma_wait3A_37] : memref<32x125x80xi32, #tpu.memory_space<hbm>> -> memref<1x125x80xi32, #tpu.memory_space<hbm>>
      %dma_wait3A_39 = tpu.memref_squeeze %dma_wait3A_38 : memref<1x125x80xi32, #tpu.memory_space<hbm>> -> memref<125x80xi32, #tpu.memory_space<hbm>>
      %dma_wait3A_40 = arith.constant 0 : i32
      %dma_wait3A_41 = arith.constant 0 : i32
      %dma_wait3A_42 = tpu.memref_slice %arg2[%add3A, %dma_wait3A_40, %dma_wait3A_41] : memref<32x125x80xi32, #tpu.memory_space<hbm>> -> memref<1x125x80xi32, #tpu.memory_space<hbm>>
      %dma_wait3A_43 = tpu.memref_squeeze %dma_wait3A_42 : memref<1x125x80xi32, #tpu.memory_space<hbm>> -> memref<125x80xi32, #tpu.memory_space<hbm>>
      tpu.wait_dma2 semaphore(%run_scoped3A : memref<!tpu.dma_semaphore, #tpu.memory_space<semaphore_mem>>) src(%dma_wait3A_43 : memref<125x80xi32, #tpu.memory_space<hbm>>) dst(%arg7 : memref<125x80xi32, #tpu.memory_space<vmem>>)
      tpu.yield
    }) : () -> ()
    %barrier3A = arith.constant 0 : index
    tpu.barrier barrier_id(%barrier3A)
    %scan3A_23 = arith.constant 0 : i32
    %scan3A_24 = arith.constant 0 : i32
    %scan3A_25 = arith.constant 125 : i32
    %scan3A_26 = arith.addi %scan3A_24, %scan3A_25 : i32
    %scan3A_27 = arith.constant 1 : i32
    scf.for %scan3A_30 = %scan3A_24 to %scan3A_26 step %scan3A_27  : i32 {
      "tpu.region"() ({
        %run_scoped3A = tpu.sem_alloc : memref<!tpu.dma_semaphore, #tpu.memory_space<semaphore_mem>>
        %dma_start3A = arith.constant 0 : i32
        %dma_start3A_31 = tpu.memref_slice %arg7[%scan3A_30, %dma_start3A] : memref<125x80xi32, #tpu.memory_space<vmem>> -> memref<1x80xi32, #tpu.memory_space<vmem>>
        %dma_start3A_32 = tpu.memref_squeeze %dma_start3A_31 : memref<1x80xi32, #tpu.memory_space<vmem>> -> memref<80xi32, #tpu.memory_space<vmem>>
        %dma_start3A_33 = arith.constant 0 : i32
        %dma_start3A_34 = arith.constant 0 : i32
        %dma_start3A_35 = tpu.memref_slice %arg4[%dma_start3A_33, %dma_start3A_34] : memref<10240x16xf32, #tpu.memory_space<vmem_shared>> -> memref<10240x16xf32, #tpu.memory_space<vmem_shared>>
        tpu.enqueue_indirect_dma source(%arg6 : memref<80x16xf32, #tpu.memory_space<vmem>>) target(%dma_start3A_35 : memref<10240x16xf32, #tpu.memory_space<vmem_shared>>) offsets(%dma_start3A_32 : memref<80xi32, #tpu.memory_space<vmem>>) semaphore(%run_scoped3A : memref<!tpu.dma_semaphore, #tpu.memory_space<semaphore_mem>>) {add = true}
        %dma_wait3A = arith.constant 0 : i32
        %dma_wait3A_36 = tpu.memref_slice %arg7[%scan3A_30, %dma_wait3A] : memref<125x80xi32, #tpu.memory_space<vmem>> -> memref<1x80xi32, #tpu.memory_space<vmem>>
        %dma_wait3A_37 = tpu.memref_squeeze %dma_wait3A_36 : memref<1x80xi32, #tpu.memory_space<vmem>> -> memref<80xi32, #tpu.memory_space<vmem>>
        %dma_wait3A_38 = arith.constant 0 : i32
        %dma_wait3A_39 = arith.constant 0 : i32
        %dma_wait3A_40 = tpu.memref_slice %arg4[%dma_wait3A_38, %dma_wait3A_39] : memref<10240x16xf32, #tpu.memory_space<vmem_shared>> -> memref<10240x16xf32, #tpu.memory_space<vmem_shared>>
        tpu.wait_indirect_dma semaphore(%run_scoped3A : memref<!tpu.dma_semaphore, #tpu.memory_space<semaphore_mem>>) src(%arg6 : memref<80x16xf32, #tpu.memory_space<vmem>>) dst(%dma_wait3A_40 : memref<10240x16xf32, #tpu.memory_space<vmem_shared>>)
        tpu.yield
      }) : () -> ()
    }
    %scan3A_28 = arith.constant 125 : i32
    %barrier3A_29 = arith.constant 0 : index
    tpu.barrier barrier_id(%barrier3A_29)
    "tpu.region"() ({
      %run_scoped3A = tpu.sem_alloc : memref<!tpu.dma_semaphore, #tpu.memory_space<semaphore_mem>>
      %dma_start3A = arith.constant 0 : i32
      %dma_start3A_30 = tpu.memref_slice %arg3[%arg0, %mul3A_2, %dma_start3A] : memref<2x10240x16xf32, #tpu.memory_space<hbm>> -> memref<1x640x16xf32, #tpu.memory_space<hbm>>
      %dma_start3A_31 = tpu.memref_squeeze %dma_start3A_30 : memref<1x640x16xf32, #tpu.memory_space<hbm>> -> memref<640x16xf32, #tpu.memory_space<hbm>>
      %dma_start3A_32 = arith.constant 0 : i32
      %dma_start3A_33 = tpu.memref_slice %arg4[%mul3A_2, %dma_start3A_32] : memref<10240x16xf32, #tpu.memory_space<vmem_shared>> -> memref<640x16xf32, #tpu.memory_space<vmem_shared>>
      tpu.enqueue_dma source(%dma_start3A_33 : memref<640x16xf32, #tpu.memory_space<vmem_shared>>) target(%dma_start3A_31 : memref<640x16xf32, #tpu.memory_space<hbm>>) target_semaphore(%run_scoped3A : memref<!tpu.dma_semaphore, #tpu.memory_space<semaphore_mem>>)
      %dma_wait3A = arith.constant 0 : i32
      %dma_wait3A_34 = tpu.memref_slice %arg3[%arg0, %mul3A_2, %dma_wait3A] : memref<2x10240x16xf32, #tpu.memory_space<hbm>> -> memref<1x640x16xf32, #tpu.memory_space<hbm>>
      %dma_wait3A_35 = tpu.memref_squeeze %dma_wait3A_34 : memref<1x640x16xf32, #tpu.memory_space<hbm>> -> memref<640x16xf32, #tpu.memory_space<hbm>>
      %dma_wait3A_36 = arith.constant 0 : i32
      %dma_wait3A_37 = tpu.memref_slice %arg4[%mul3A_2, %dma_wait3A_36] : memref<10240x16xf32, #tpu.memory_space<vmem_shared>> -> memref<640x16xf32, #tpu.memory_space<vmem_shared>>
      tpu.wait_dma2 semaphore(%run_scoped3A : memref<!tpu.dma_semaphore, #tpu.memory_space<semaphore_mem>>) src(%dma_wait3A_37 : memref<640x16xf32, #tpu.memory_space<vmem_shared>>) dst(%dma_wait3A_35 : memref<640x16xf32, #tpu.memory_space<hbm>>)
      tpu.yield
    }) : () -> ()
    return
  }
}

module attributes {stable_mosaic.version = 14 : i64} {
  func.func @_tc_b_body(%arg0: i32, %arg1: memref<1024x128xf32, #tpu.memory_space<vmem>>, %arg2: memref<128x128xf32, #tpu.memory_space<vmem>>, %arg3: memref<2x1024x16xf32, #tpu.memory_space<vmem>>, %arg4: memref<1024x128xf32, #tpu.memory_space<vmem>>) attributes {dimension_semantics = [#tpu.dimension_semantics<arbitrary>], iteration_bounds = array<i64: 10>, scalar_prefetch = 0 : i64, scratch_operands = 0 : i64, tpu.core_type = #tpu.core_type<tc>, window_params = [{transform_indices = @transform_0, window_bounds = array<i64: 1024, 128>}, {pipeline_mode = #tpu.pipeline_mode<synchronous>, transform_indices = @transform_1, window_bounds = array<i64: 128, 128>}, {transform_indices = @transform_2, window_bounds = array<i64: 2, 1024, 16>}, {transform_indices = @transform_3, window_bounds = array<i64: 1024, 128>}]} {
    %get3A = arith.constant 0 : index
    %get3A_0 = arith.constant 0 : index
    %get3A_1 = arith.constant 0 : index
    %get3A_2 = vector.load %arg3[%get3A, %get3A_0, %get3A_1] : memref<2x1024x16xf32, #tpu.memory_space<vmem>>, vector<2x1024x16xf32>
    %reduce_sum3A = arith.constant dense<0.000000e+00> : vector<1024xf32>
    %reduce_sum3A_3 = vector.multi_reduction <add>, %get3A_2, %reduce_sum3A [0, 2] : vector<2x1024x16xf32> to vector<1024xf32>
    %add3A = arith.constant 1.000000e+00 : f32
    %add3A_4 = vector.broadcast %add3A : f32 to vector<1024xf32>
    %add3A_5 = arith.addf %reduce_sum3A_3, %add3A_4 : vector<1024xf32>
    %rsqrt3A = math.rsqrt %add3A_5 : vector<1024xf32>
    %get3A_6 = arith.constant 0 : index
    %get3A_7 = arith.constant 0 : index
    %get3A_8 = vector.load %arg1[%get3A_6, %get3A_7] : memref<1024x128xf32, #tpu.memory_space<vmem>>, vector<1024x128xf32>
    %get3A_9 = arith.constant 0 : index
    %get3A_10 = arith.constant 0 : index
    %get3A_11 = vector.load %arg2[%get3A_9, %get3A_10] : memref<128x128xf32, #tpu.memory_space<vmem>>, vector<128x128xf32>
    %dot_general3A = arith.constant dense<0.000000e+00> : vector<1024x128xf32>
    %dot_general3A_12 = tpu.matmul %get3A_8, %get3A_11, %dot_general3A {dimension_numbers = #tpu.dot_dimension_numbers<[1], [0], [0], [1], [0, 0, 1, 1], [], []>, transpose_lhs_hint = false} : vector<1024x128xf32>, vector<128x128xf32>, vector<1024x128xf32> -> vector<1024x128xf32>
    %broadcast_in_dim3A = vector.shape_cast %rsqrt3A : vector<1024xf32> to vector<1024x1xf32>
    %mul3A = vector.broadcast %broadcast_in_dim3A : vector<1024x1xf32> to vector<1024x128xf32>
    %mul3A_13 = arith.mulf %dot_general3A_12, %mul3A : vector<1024x128xf32>
    %swap3A = arith.constant 0 : index
    %swap3A_14 = arith.constant 0 : index
    %swap3A_15 = vector.load %arg4[%swap3A, %swap3A_14] : memref<1024x128xf32, #tpu.memory_space<vmem>>, vector<1024x128xf32>
    tpu.vector_store %arg4[%swap3A, %swap3A_14], %mul3A_13 {strides = array<i32>} : memref<1024x128xf32, #tpu.memory_space<vmem>>, vector<1024x128xf32>,
    return
  }
  func.func @transform_0(%arg0: i32) -> (i32, i32) {
    %c0_i32 = arith.constant 0 : i32
    %c0_i32_0 = arith.constant 0 : i32
    return %arg0, %c0_i32 : i32, i32
  }
  func.func @transform_1(%arg0: i32) -> (i32, i32) {
    %c0_i32 = arith.constant 0 : i32
    %c0_i32_0 = arith.constant 0 : i32
    %c0_i32_1 = arith.constant 0 : i32
    return %c0_i32, %c0_i32_0 : i32, i32
  }
  func.func @transform_2(%arg0: i32) -> (i32, i32, i32) {
    %c0_i32 = arith.constant 0 : i32
    %c0_i32_0 = arith.constant 0 : i32
    %c0_i32_1 = arith.constant 0 : i32
    return %c0_i32, %arg0, %c0_i32_0 : i32, i32, i32
  }
  func.func @transform_3(%arg0: i32) -> (i32, i32) {
    %c0_i32 = arith.constant 0 : i32
    %c0_i32_0 = arith.constant 0 : i32
    return %arg0, %c0_i32 : i32, i32
  }
}

module attributes {stable_mosaic.version = 14 : i64} {
  func.func @_tc_d_body(%arg0: i32, %arg1: memref<2x1024x128xf32, #tpu.memory_space<vmem>>, %arg2: memref<1024x128xf32, #tpu.memory_space<vmem>>, %arg3: memref<2x1024x16xf32, #tpu.memory_space<vmem>>, %arg4: memref<1x128xf32, #tpu.memory_space<vmem>>, %arg5: memref<128x128xf32, #tpu.memory_space<vmem>>, %arg6: memref<1024x128xf32, #tpu.memory_space<vmem>>) attributes {dimension_semantics = [#tpu.dimension_semantics<arbitrary>], iteration_bounds = array<i64: 10>, scalar_prefetch = 0 : i64, scratch_operands = 0 : i64, tpu.core_type = #tpu.core_type<tc>, window_params = [{transform_indices = @transform_0, window_bounds = array<i64: 2, 1024, 128>}, {transform_indices = @transform_1, window_bounds = array<i64: 1024, 128>}, {transform_indices = @transform_2, window_bounds = array<i64: 2, 1024, 16>}, {pipeline_mode = #tpu.pipeline_mode<synchronous>, transform_indices = @transform_3, window_bounds = array<i64: 1, 128>}, {pipeline_mode = #tpu.pipeline_mode<synchronous>, transform_indices = @transform_4, window_bounds = array<i64: 128, 128>}, {transform_indices = @transform_5, window_bounds = array<i64: 1024, 128>}]} {
    %get3A = arith.constant 0 : index
    %get3A_0 = arith.constant 0 : index
    %get3A_1 = arith.constant 0 : index
    %get3A_2 = vector.load %arg3[%get3A, %get3A_0, %get3A_1] : memref<2x1024x16xf32, #tpu.memory_space<vmem>>, vector<2x1024x16xf32>
    %reduce_sum3A = arith.constant dense<0.000000e+00> : vector<1024xf32>
    %reduce_sum3A_3 = vector.multi_reduction <add>, %get3A_2, %reduce_sum3A [0, 2] : vector<2x1024x16xf32> to vector<1024xf32>
    %add3A = arith.constant 1.000000e+00 : f32
    %add3A_4 = vector.broadcast %add3A : f32 to vector<1024xf32>
    %add3A_5 = arith.addf %reduce_sum3A_3, %add3A_4 : vector<1024xf32>
    %rsqrt3A = math.rsqrt %add3A_5 : vector<1024xf32>
    %get3A_6 = arith.constant 0 : index
    %get3A_7 = arith.constant 0 : index
    %get3A_8 = arith.constant 0 : index
    %get3A_9 = vector.load %arg1[%get3A_6, %get3A_7, %get3A_8] : memref<2x1024x128xf32, #tpu.memory_space<vmem>>, vector<2x1024x128xf32>
    %broadcast_in_dim3A = vector.shape_cast %rsqrt3A : vector<1024xf32> to vector<1024x1xf32>
    %slice3A = vector.extract_strided_slice %get3A_9 {offsets = [0, 0, 0], sizes = [1, 1024, 128], strides = [1, 1, 1]} : vector<2x1024x128xf32> to vector<1x1024x128xf32>
    %squeeze3A = vector.shape_cast %slice3A : vector<1x1024x128xf32> to vector<1024x128xf32>
    %slice3A_10 = vector.extract_strided_slice %get3A_9 {offsets = [1, 0, 0], sizes = [1, 1024, 128], strides = [1, 1, 1]} : vector<2x1024x128xf32> to vector<1x1024x128xf32>
    %squeeze3A_11 = vector.shape_cast %slice3A_10 : vector<1x1024x128xf32> to vector<1024x128xf32>
    %add3A_12 = arith.addf %squeeze3A, %squeeze3A_11 : vector<1024x128xf32>
    %get3A_13 = arith.constant 0 : index
    %get3A_14 = arith.constant 0 : index
    %get3A_15 = vector.load %arg2[%get3A_13, %get3A_14] : memref<1024x128xf32, #tpu.memory_space<vmem>>, vector<1024x128xf32>
    %add3A_16 = arith.addf %add3A_12, %get3A_15 : vector<1024x128xf32>
    %mul3A = vector.broadcast %broadcast_in_dim3A : vector<1024x1xf32> to vector<1024x128xf32>
    %mul3A_17 = arith.mulf %mul3A, %add3A_16 : vector<1024x128xf32>
    %get3A_18 = arith.constant 0 : index
    %get3A_19 = arith.constant 0 : index
    %get3A_20 = vector.load %arg4[%get3A_18, %get3A_19] : memref<1x128xf32, #tpu.memory_space<vmem>>, vector<1x128xf32>
    %add3A_21 = vector.broadcast %get3A_20 : vector<1x128xf32> to vector<1024x128xf32>
    %add3A_22 = arith.addf %mul3A_17, %add3A_21 : vector<1024x128xf32>
    %logistic3A = arith.negf %add3A_22 : vector<1024x128xf32>
    %logistic3A_23 = math.exp %logistic3A : vector<1024x128xf32>
    %logistic3A_24 = arith.constant 1.000000e+00 : f32
    %logistic3A_25 = vector.broadcast %logistic3A_24 : f32 to vector<1024x128xf32>
    %logistic3A_26 = arith.addf %logistic3A_25, %logistic3A_23 : vector<1024x128xf32>
    %logistic3A_27 = arith.divf %logistic3A_25, %logistic3A_26 : vector<1024x128xf32>
    %get3A_28 = arith.constant 0 : index
    %get3A_29 = arith.constant 0 : index
    %get3A_30 = vector.load %arg5[%get3A_28, %get3A_29] : memref<128x128xf32, #tpu.memory_space<vmem>>, vector<128x128xf32>
    %dot_general3A = arith.constant dense<0.000000e+00> : vector<1024x128xf32>
    %dot_general3A_31 = tpu.matmul %logistic3A_27, %get3A_30, %dot_general3A {dimension_numbers = #tpu.dot_dimension_numbers<[1], [0], [0], [1], [0, 0, 1, 1], [], []>, transpose_lhs_hint = false} : vector<1024x128xf32>, vector<128x128xf32>, vector<1024x128xf32> -> vector<1024x128xf32>
    %broadcast_in_dim3A_32 = vector.shape_cast %rsqrt3A : vector<1024xf32> to vector<1024x1xf32>
    %mul3A_33 = vector.broadcast %broadcast_in_dim3A_32 : vector<1024x1xf32> to vector<1024x128xf32>
    %mul3A_34 = arith.mulf %dot_general3A_31, %mul3A_33 : vector<1024x128xf32>
    %swap3A = arith.constant 0 : index
    %swap3A_35 = arith.constant 0 : index
    %swap3A_36 = vector.load %arg6[%swap3A, %swap3A_35] : memref<1024x128xf32, #tpu.memory_space<vmem>>, vector<1024x128xf32>
    tpu.vector_store %arg6[%swap3A, %swap3A_35], %mul3A_34 {strides = array<i32>} : memref<1024x128xf32, #tpu.memory_space<vmem>>, vector<1024x128xf32>,
    return
  }
  func.func @transform_0(%arg0: i32) -> (i32, i32, i32) {
    %c0_i32 = arith.constant 0 : i32
    %c0_i32_0 = arith.constant 0 : i32
    %c0_i32_1 = arith.constant 0 : i32
    return %c0_i32, %arg0, %c0_i32_0 : i32, i32, i32
  }
  func.func @transform_1(%arg0: i32) -> (i32, i32) {
    %c0_i32 = arith.constant 0 : i32
    %c0_i32_0 = arith.constant 0 : i32
    return %arg0, %c0_i32 : i32, i32
  }
  func.func @transform_2(%arg0: i32) -> (i32, i32, i32) {
    %c0_i32 = arith.constant 0 : i32
    %c0_i32_0 = arith.constant 0 : i32
    %c0_i32_1 = arith.constant 0 : i32
    return %c0_i32, %arg0, %c0_i32_0 : i32, i32, i32
  }
  func.func @transform_3(%arg0: i32) -> (i32, i32) {
    %c0_i32 = arith.constant 0 : i32
    %c0_i32_0 = arith.constant 0 : i32
    %c0_i32_1 = arith.constant 0 : i32
    return %c0_i32, %c0_i32_0 : i32, i32
  }
  func.func @transform_4(%arg0: i32) -> (i32, i32) {
    %c0_i32 = arith.constant 0 : i32
    %c0_i32_0 = arith.constant 0 : i32
    %c0_i32_1 = arith.constant 0 : i32
    return %c0_i32, %c0_i32_0 : i32, i32
  }
  func.func @transform_5(%arg0: i32) -> (i32, i32) {
    %c0_i32 = arith.constant 0 : i32
    %c0_i32_0 = arith.constant 0 : i32
    return %arg0, %c0_i32 : i32, i32
  }
}

module attributes {stable_mosaic.version = 14 : i64} {
  func.func @_tc_f_body(%arg0: i32, %arg1: memref<2x1024x128xf32, #tpu.memory_space<vmem>>, %arg2: memref<1024x128xf32, #tpu.memory_space<vmem>>, %arg3: memref<2x1024x16xf32, #tpu.memory_space<vmem>>, %arg4: memref<1x128xf32, #tpu.memory_space<vmem>>, %arg5: memref<1024x128xf32, #tpu.memory_space<vmem>>) attributes {dimension_semantics = [#tpu.dimension_semantics<arbitrary>], iteration_bounds = array<i64: 10>, scalar_prefetch = 0 : i64, scratch_operands = 0 : i64, tpu.core_type = #tpu.core_type<tc>, window_params = [{transform_indices = @transform_0, window_bounds = array<i64: 2, 1024, 128>}, {transform_indices = @transform_1, window_bounds = array<i64: 1024, 128>}, {transform_indices = @transform_2, window_bounds = array<i64: 2, 1024, 16>}, {pipeline_mode = #tpu.pipeline_mode<synchronous>, transform_indices = @transform_3, window_bounds = array<i64: 1, 128>}, {transform_indices = @transform_4, window_bounds = array<i64: 1024, 128>}]} {
    %get3A = arith.constant 0 : index
    %get3A_0 = arith.constant 0 : index
    %get3A_1 = arith.constant 0 : index
    %get3A_2 = vector.load %arg3[%get3A, %get3A_0, %get3A_1] : memref<2x1024x16xf32, #tpu.memory_space<vmem>>, vector<2x1024x16xf32>
    %reduce_sum3A = arith.constant dense<0.000000e+00> : vector<1024xf32>
    %reduce_sum3A_3 = vector.multi_reduction <add>, %get3A_2, %reduce_sum3A [0, 2] : vector<2x1024x16xf32> to vector<1024xf32>
    %add3A = arith.constant 1.000000e+00 : f32
    %add3A_4 = vector.broadcast %add3A : f32 to vector<1024xf32>
    %add3A_5 = arith.addf %reduce_sum3A_3, %add3A_4 : vector<1024xf32>
    %rsqrt3A = math.rsqrt %add3A_5 : vector<1024xf32>
    %get3A_6 = arith.constant 0 : index
    %get3A_7 = arith.constant 0 : index
    %get3A_8 = arith.constant 0 : index
    %get3A_9 = vector.load %arg1[%get3A_6, %get3A_7, %get3A_8] : memref<2x1024x128xf32, #tpu.memory_space<vmem>>, vector<2x1024x128xf32>
    %broadcast_in_dim3A = vector.shape_cast %rsqrt3A : vector<1024xf32> to vector<1024x1xf32>
    %slice3A = vector.extract_strided_slice %get3A_9 {offsets = [0, 0, 0], sizes = [1, 1024, 128], strides = [1, 1, 1]} : vector<2x1024x128xf32> to vector<1x1024x128xf32>
    %squeeze3A = vector.shape_cast %slice3A : vector<1x1024x128xf32> to vector<1024x128xf32>
    %slice3A_10 = vector.extract_strided_slice %get3A_9 {offsets = [1, 0, 0], sizes = [1, 1024, 128], strides = [1, 1, 1]} : vector<2x1024x128xf32> to vector<1x1024x128xf32>
    %squeeze3A_11 = vector.shape_cast %slice3A_10 : vector<1x1024x128xf32> to vector<1024x128xf32>
    %add3A_12 = arith.addf %squeeze3A, %squeeze3A_11 : vector<1024x128xf32>
    %get3A_13 = arith.constant 0 : index
    %get3A_14 = arith.constant 0 : index
    %get3A_15 = vector.load %arg2[%get3A_13, %get3A_14] : memref<1024x128xf32, #tpu.memory_space<vmem>>, vector<1024x128xf32>
    %add3A_16 = arith.addf %add3A_12, %get3A_15 : vector<1024x128xf32>
    %mul3A = vector.broadcast %broadcast_in_dim3A : vector<1024x1xf32> to vector<1024x128xf32>
    %mul3A_17 = arith.mulf %mul3A, %add3A_16 : vector<1024x128xf32>
    %get3A_18 = arith.constant 0 : index
    %get3A_19 = arith.constant 0 : index
    %get3A_20 = vector.load %arg4[%get3A_18, %get3A_19] : memref<1x128xf32, #tpu.memory_space<vmem>>, vector<1x128xf32>
    %add3A_21 = vector.broadcast %get3A_20 : vector<1x128xf32> to vector<1024x128xf32>
    %add3A_22 = arith.addf %mul3A_17, %add3A_21 : vector<1024x128xf32>
    %iota3A = tpu.iota {dimensions = array<i32: 1>} : vector<1024x128xi32>
    %lt3A = arith.constant 40 : i32
    %lt3A_23 = vector.broadcast %lt3A : i32 to vector<1024x128xi32>
    %lt3A_24 = arith.cmpi slt, %iota3A, %lt3A_23 : vector<1024x128xi32>
    %jit3A = arith.constant -1.000000e+30 : f32
    %broadcast_in_dim3A_25 = vector.broadcast %jit3A : f32 to vector<1024x128xf32>
    %select_n3A = arith.select %lt3A_24, %add3A_22, %broadcast_in_dim3A_25 : vector<1024x128xi1>, vector<1024x128xf32>
    %reduce_max3A = arith.constant dense<0xFF800000> : vector<1024xf32>
    %reduce_max3A_26 = vector.multi_reduction <maximumf>, %select_n3A, %reduce_max3A [1] : vector<1024x128xf32> to vector<1024xf32>
    %broadcast_in_dim3A_27 = vector.shape_cast %reduce_max3A_26 : vector<1024xf32> to vector<1024x1xf32>
    %sub3A = vector.broadcast %broadcast_in_dim3A_27 : vector<1024x1xf32> to vector<1024x128xf32>
    %sub3A_28 = arith.subf %select_n3A, %sub3A : vector<1024x128xf32>
    %exp3A = math.exp %sub3A_28 : vector<1024x128xf32>
    %jit3A_29 = arith.constant 0.000000e+00 : f32
    %broadcast_in_dim3A_30 = vector.broadcast %jit3A_29 : f32 to vector<1024x128xf32>
    %select_n3A_31 = arith.select %lt3A_24, %exp3A, %broadcast_in_dim3A_30 : vector<1024x128xi1>, vector<1024x128xf32>
    %reduce_sum3A_32 = arith.constant dense<0.000000e+00> : vector<1024xf32>
    %reduce_sum3A_33 = vector.multi_reduction <add>, %select_n3A_31, %reduce_sum3A_32 [1] : vector<1024x128xf32> to vector<1024xf32>
    %broadcast_in_dim3A_34 = vector.shape_cast %reduce_sum3A_33 : vector<1024xf32> to vector<1024x1xf32>
    %log3A = math.log %broadcast_in_dim3A_34 : vector<1024x1xf32>
    %sub3A_35 = vector.broadcast %broadcast_in_dim3A_27 : vector<1024x1xf32> to vector<1024x128xf32>
    %sub3A_36 = arith.subf %select_n3A, %sub3A_35 : vector<1024x128xf32>
    %sub3A_37 = vector.broadcast %log3A : vector<1024x1xf32> to vector<1024x128xf32>
    %sub3A_38 = arith.subf %sub3A_36, %sub3A_37 : vector<1024x128xf32>
    %swap3A = arith.constant 0 : index
    %swap3A_39 = arith.constant 0 : index
    %swap3A_40 = vector.load %arg5[%swap3A, %swap3A_39] : memref<1024x128xf32, #tpu.memory_space<vmem>>, vector<1024x128xf32>
    tpu.vector_store %arg5[%swap3A, %swap3A_39], %sub3A_38 {strides = array<i32>} : memref<1024x128xf32, #tpu.memory_space<vmem>>, vector<1024x128xf32>,
    return
  }
  func.func @transform_0(%arg0: i32) -> (i32, i32, i32) {
    %c0_i32 = arith.constant 0 : i32
    %c0_i32_0 = arith.constant 0 : i32
    %c0_i32_1 = arith.constant 0 : i32
    return %c0_i32, %arg0, %c0_i32_0 : i32, i32, i32
  }
  func.func @transform_1(%arg0: i32) -> (i32, i32) {
    %c0_i32 = arith.constant 0 : i32
    %c0_i32_0 = arith.constant 0 : i32
    return %arg0, %c0_i32 : i32, i32
  }
  func.func @transform_2(%arg0: i32) -> (i32, i32, i32) {
    %c0_i32 = arith.constant 0 : i32
    %c0_i32_0 = arith.constant 0 : i32
    %c0_i32_1 = arith.constant 0 : i32
    return %c0_i32, %arg0, %c0_i32_0 : i32, i32, i32
  }
  func.func @transform_3(%arg0: i32) -> (i32, i32) {
    %c0_i32 = arith.constant 0 : i32
    %c0_i32_0 = arith.constant 0 : i32
    %c0_i32_1 = arith.constant 0 : i32
    return %c0_i32, %c0_i32_0 : i32, i32
  }
  func.func @transform_4(%arg0: i32) -> (i32, i32) {
    %c0_i32 = arith.constant 0 : i32
    %c0_i32_0 = arith.constant 0 : i32
    return %arg0, %c0_i32 : i32, i32
  }
}

</mosaic_0001>

<sc_bundles>
// kernel: kernel.11.cloned.1.call-start
scs
__scs_entry_jumppad:
0x0: {  	(pc) =	sbr.rel $0x88, $3  }
0x1: {  	(tag) =	ssettag $0x0;
	lr =	simm.s32 $0x1  }
0x2: {  	[smem:$0x3F9B] =	sst lr;
	_ =	strace $0xD0000000  }
0x3: {  	_ = 	snop  }
0x4: {  	_ = 	snop  }
0x5: {  	_ = 	snop  }
0x6: {  	_ = 	snop  }
0x7: {  	_ = 	snop  }
__scs_overlays_trampoline_lowered:
0x8: {  	[smem:$0x3FAA] =	sst s0  }
0x9: {  	[smem:$0x3FAB] =	sst s1  }
0xa: {  	[smem:$0x3FAC] =	sst s2  }
0xb: {  	[smem:$0x3FAD] =	sst s3  }
0xc: {  	[smem:$0x3FAE] =	sst s4  }
0xd: {  	[smem:$0x3FAF] =	sst s5  }
0xe: {  	[smem:$0x3FB0] =	sst s6  }
0xf: {  	[smem:$0x3FB1] =	sst s7  }
0x10: {  	[smem:$0x3FB2] =	sst s8  }
0x11: {  	[smem:$0x3FB3] =	sst s9;
	s0 =	simm.s32 @!p0 $0x0  }
0x12: {  	s1 =	sld [smem:$0x3F99];
	s0 =	simm.s32 @p0 $0x1  }
0x13: {  	[smem:$0x3FB4] =	sst s0;
	s0 =	simm.s32 @!p1 $0x0  }
0x14: {  	s2 =	sld [smem:$0x3F98];
	s0 =	simm.s32 @p1 $0x1  }
0x15: {  	[smem:$0x3FB5] =	sst s0;
	s0 =	simm.s32 @!p2 $0x0  }
0x16: {  	s3 =	sld [smem:$0x3FDB];
	s0 =	simm.s32 @p2 $0x1  }
0x17: {  	s4 =	simm.s32 $0x1BF5;
	[smem:$0x3FB7] =	sst s0  }
0x18: {  	s0 =	sld [smem:$0x3F9A];
	_ =	swait.ge [sflag:s4], $0x0  }
0x19: {  	s7 =	sld [smem:$0x3F9B]  }
0x1a: {  	s8 =	sadd.s32 $0xFFFFE003, lr  }
0x1b: {  	s9 =	sadd.s32 $0xFFFFFEF7, lr;
	s5 =	simm.s32 $0xFFFFFFFF;
	p2 =	slt.u32 s8, $0xFFFFF086  }
0x1c: {  	p1 =	slt.u32 s9, $0xF7A;
	s5 =	simm.s32 @!p2 $0x0  }
0x1d: {  	s5 =	simm.s32 @p1 $0x1;
	p0 =	seq.s32 s7, s2  }
0x1e: {  	s7 =	smul.u32 @!p0 $0xF7A, s2;
	p2 =	seq.s32 @!p0 s5, $0x0  }
0x1f: {  	s9 =	smul.u32 $0xF7A, s1;
	s8 =	simm.s32 @!p0 $0x1BF5;
	p2 =	por !p2, p0  }
0x20: {  	[sflag:s8] =	ssyncset.s32 @!p0 $0xFFFFF086;
	s6 =	sadd.s32 @!p0 s3, s7;
	s7 =	simm.s32 @!p0 $0x108  }
0x21: {  	s3 =	sadd.s32 s3, s9;
	s6 =	sadd.s32 @!p0 $0x88, s6;
	s7 =	simm.s32 @p2 $0x1082  }
0x22: {  	[simem:s7], [sflag:s8] =	dma.local @!p0 [hbm:s6], $0xF7A  }
0x23: {  	s9 =	sor.u32 $0xD0000000, s2;
	s6 =	simm.s32 $0x108;
	_ =	swait.ge @!p0 [sflag:s8], $0x0  }
0x24: {  	s3 =	sadd.s32 $0x88, s3;
	s6 =	simm.s32 @!p1 $0x1082;
	[sflag:s4] =	ssyncset.s32 $0xFFFFF086  }
0x25: {  	[simem:s6], [sflag:s4] =	dma.local [hbm:s3], $0xF7A  }
0x26: {  	[smem:$0x3F9B] =	sst s1;
	(tag) =	ssettag s2;
	_ =	strace s9  }
0x27: {  	s1 =	sld [smem:$0x3FAB]  }
0x28: {  	s2 =	sld [smem:$0x3FAC]  }
0x29: {  	s4 =	sld [smem:$0x3FAE]  }
0x2a: {  	p0 =	seq.s32 s5, $0x0;
	s5 =	sld [smem:$0x3FAF]  }
0x2b: {  	s6 =	sld [smem:$0x3FB0]  }
0x2c: {  	s7 =	sld [smem:$0x3FB1]  }
0x2d: {  	s3 =	simm.s32 $0x108;
	s8 =	sld [smem:$0x3FB2]  }
0x2e: {  	s3 =	simm.s32 @!p0 $0x1082;
	s9 =	sld [smem:$0x3FB3]  }
0x2f: {  	lr =	sadd.s32 s0, s3;
	s0 =	sld [smem:$0x3FAA]  }
0x30: {  	s3 =	sld [smem:$0x3FAD]  }
0x31: {  	[smem:$0x3FB6] =	sst s10  }
0x32: {  	s10 =	sld [smem:$0x3FB4];
	_ =	sdelay $0x3  }
0x33: {  	p0 =	seq.s32 s10, $0x1;
	s10 =	sld [smem:$0x3FB6];
	_ =	sdelay $0x3  }
0x34: {  	[smem:$0x3FB6] =	sst s10  }
0x35: {  	s10 =	sld [smem:$0x3FB5];
	_ =	sdelay $0x3  }
0x36: {  	p1 =	seq.s32 s10, $0x1;
	s10 =	sld [smem:$0x3FB6];
	_ =	sdelay $0x3  }
0x37: {  	[smem:$0x3FB6] =	sst s10  }
0x38: {  	s10 =	sld [smem:$0x3FB7]  }
0x39: {  	_ = 	snop;
	(pc) =	sbr.ind lr, $3  }
0x3a: {  	_ = 	snop  }
0x3b: {  	_ = 	snop  }
0x3c: {  	p2 =	seq.s32 s10, $0x1;
	s10 =	sld [smem:$0x3FB6]  }
0x3d: {  	_ =	shalt  }
0x3e: {  	_ =	shalt  }
0x3f: {  	_ =	shalt  }
0x40: {  	_ =	shalt  }
0x41: {  	_ =	shalt  }
0x42: {  	_ =	shalt  }
0x43: {  	_ =	shalt  }
0x44: {  	_ =	shalt  }
0x45: {  	_ =	shalt  }
0x46: {  	_ =	shalt  }
0x47: {  	_ =	shalt  }
0x48: {  	_ =	shalt  }
0x49: {  	_ =	shalt  }
0x4a: {  	_ =	shalt  }
0x4b: {  	_ =	shalt  }
0x4c: {  	_ =	shalt  }
0x4d: {  	_ =	shalt  }
0x4e: {  	_ =	shalt  }
0x4f: {  	_ =	shalt  }
0x50: {  	_ =	shalt  }
0x51: {  	_ =	shalt  }
0x52: {  	_ =	shalt  }
0x53: {  	_ =	shalt  }
0x54: {  	_ =	shalt  }
0x55: {  	_ =	shalt  }
0x56: {  	_ =	shalt  }
0x57: {  	_ =	shalt  }
0x58: {  	_ =	shalt  }
0x59: {  	_ =	shalt  }
0x5a: {  	_ =	shalt  }
0x5b: {  	_ =	shalt  }
0x5c: {  	_ =	shalt  }
0x5d: {  	_ =	shalt  }
0x5e: {  	_ =	shalt  }
0x5f: {  	_ =	shalt  }
0x60: {  	_ =	shalt  }
0x61: {  	_ =	shalt  }
0x62: {  	_ =	shalt  }
0x63: {  	_ =	shalt  }
0x64: {  	_ =	shalt  }
0x65: {  	_ =	shalt  }
0x66: {  	_ =	shalt  }
0x67: {  	_ =	shalt  }
0x68: {  	_ =	shalt  }
0x69: {  	_ =	shalt  }
0x6a: {  	_ =	shalt  }
0x6b: {  	_ =	shalt  }
0x6c: {  	_ =	shalt  }
0x6d: {  	_ =	shalt  }
0x6e: {  	_ =	shalt  }
0x6f: {  	_ =	shalt  }
0x70: {  	_ =	shalt  }
0x71: {  	_ =	shalt  }
0x72: {  	_ =	shalt  }
0x73: {  	_ =	shalt  }
0x74: {  	_ =	shalt  }
0x75: {  	_ =	shalt  }
0x76: {  	_ =	shalt  }
0x77: {  	_ =	shalt  }
0x78: {  	_ =	shalt  }
0x79: {  	_ =	shalt  }
0x7a: {  	_ =	shalt  }
0x7b: {  	_ =	shalt  }
0x7c: {  	_ =	shalt  }
0x7d: {  	_ =	shalt  }
0x7e: {  	_ =	shalt  }
0x7f: {  	_ =	shalt  }
0x80: {  	_ =	shalt  }
0x81: {  	_ =	shalt  }
0x82: {  	_ =	shalt  }
0x83: {  	_ =	shalt  }
0x84: {  	_ =	shalt  }
0x85: {  	_ =	shalt  }
0x86: {  	_ =	shalt  }
0x87: {  	_ =	shalt  }
.Lfunc_end0:
.L_simem_size_0:
called_computation.1_lowered:
.L_overlay_start_0:
0x88: {  	s2 =	sld [smem:$0x3FD9]  }
0x89: {  	s3 =	sld [smem:$0x3FFE];
	_ =	sdelay $0x1  }
0x8a: {  	s1 =	srdreg.scid  }
0x8b: {  	s0 =	sand.u32 $0x1, s1  }
0x8c: {  	s17 =	sshll.u32 s0, $0xA;
	s2 =	sadd.s32 s3, s2  }
0x8d: {  	s2 =	sadd.s32 s2, s17  }
0x8e: {  	[smem:$0x3FC2] =	sst s2  }
0x8f: {  	_ = 	snop  }
0x90: {  	s2 =	sld [smem:$0x3FD0];
	(tm) =	ssettm $0x1  }
0x91: {  	s18 =	sld [smem:$0x3FFB];
	_ =	sdelay $0x3  }
0x92: {  	_ =	strace s18  }
0x93: {  	s3 =	sld [smem:$0x3FFC];
	_ =	sdelay $0x3  }
0x94: {  	_ =	strace s3  }
0x95: {  	s3 =	sld [smem:$0x3FFD];
	_ =	sdelay $0x3  }
0x96: {  	_ =	strace s3  }
0x97: {  	_ =	strace $0x8FFFFFFF  }
0x98: {  	s19 =	sld [smem:$0x3FDB];
	_ =	sdelay $0x1  }
0x99: {  	s4 =	simm.s32 $_scs_section_size  }
0x9a: {  	s5 =	simm.s32 $_size__tile_overlayer_lowered;
	s6 =	simm.s32 $_tile_overlayer_lowered  }
0x9b: {  	s22 =	simm.s32 $0x1BFF;
	s21 =	sshll.u32 s6, $0x1;
	s3 =	sadd.s32 s4, s19  }
0x9c: {  	s7 =	simm.s32 $0x0;
	s20 =	sshll.u32 s5, $0x1;
	s5 =	sadd.s32 s21, s3  }
0x9d: {  	[timem:s7], [sflag:s22] =	dma.local [hbm:s5], s20  }
0x9e: {  	_ =	swait.ge [sflag:s22], s20  }
0x9f: {  	s4 =	ssub.s32 $0x0, s20;
	[sflag:s22] =	ssyncset.done $0x0  }
0xa0: {  	[sflag:s22] =	ssyncadd.s32 s4;
	_ =	sdelay $0x1  }
0xa1: {  	s23 =	simm.s32 $0x1B8B  }
0xa2: {  	_ =	swait.ge [sflag:s23], $0x1  }
0xa3: {  	[sflag:s23] =	ssyncset.done $0x0  }
0xa4: {  	s25 =	simm.s32 $0x1B8E;
	s24 =	sld [smem:$0x3FFE];
	[sflag:s23] =	ssyncadd.s32 $0xFFFFFFFF  }
0xa5: {  	s26 =	simm.s32 $execute0_lowered;
	[smem:$0x3FD2] =	sst s25  }
0xa6: {  	s5 =	sshll.u32 s26, $0x1;
	_ =	strace $0x80000049;
	[dreg:$0x1] =	wrdreg $0xFFFFFFFF  }
0xa7: {  	s28 =	simm.s32 $_size_execute0_lowered;
	s3 =	sadd.s32 s3, s5;
	[dreg:$0x0] =	wrdreg $0x0  }
0xa8: {  	s5 =	sshll.u32 s28, $0x1;
	[dreg:$0x2] =	wrdreg s3  }
0xa9: {  	[dreg:$0x3] =	wrdreg s5  }
0xaa: {  	[dreg:$0x4] =	wrdreg $0xC0  }
0xab: {  	_ =	task [dreg:s7], $0x5FFFF  }
0xac: {  	[dreg:$0x1] =	wrdreg $0xFFFFFFFF  }
0xad: {  	[dreg:$0x0] =	wrdreg $0x60  }
0xae: {  	[dreg:$0x2] =	wrdreg s2  }
0xaf: {  	[dreg:$0x3] =	wrdreg s24  }
0xb0: {  	[dreg:$0x4] =	wrdreg $0x0  }
0xb1: {  	[dreg:$0x5] =	wrdreg $0x9  }
0xb2: {  	_ =	task.clear_ibuf [dreg:s7], $0x6FFFF;
	_ =	strace $0x90000049  }
0xb3: {  	s29 =	simm.s32 $0x9;
	_ =	strace $0x8000004B  }
0xb4: {  	_ =	swait.ge [sflag:s29], $0x1  }
0xb5: {  	[sflag:s29] =	ssyncadd.s32 $0xFFFFFFFF  }
0xb6: {  	_ =	strace $0x9000004B  }
0xb7: {  	_ =	sfence  }
0xb8: {  	s30 =	sld [smem:$0x0];
	_ =	sdelay $0x2  }
0xb9: {  	s31 =	sshll.u32 s1, $0xD;
	s1 =	sshrl.u32 s1, $0x2  }
0xba: {  	s3 =	sand.u32 $0x4000, s31;
	s1 =	sadd.s32 s1, s30  }
0xbb: {  	s0 =	sor.u32 s3, s0;
	s1 =	sshll.u32 s1, $0x11  }
0xbc: {  	s0 =	sor.u32 s1, s0  }
0xbd: {  	s0 =	sadd.s32 $0x8F2B, s0  }
0xbe: {  	[sflag:s0] =	ssyncadd.remote.s32 $0x1  }
0xbf: {  	_ =	sfence.sel $0xFFFF  }
0xc0: {  	[dreg:$0x0] =	wrdreg $0xFFFFFFFF;
	(pc) =	sbr.abs _section_cstart, $3  }
0xc1: {  	[dreg:$0x1] =	wrdreg $0xFFFFFFFF  }
0xc2: {  	_ =	task.clear_ibuf [dreg:s7], $0x2FFFF;
	_ =	strace $0x9FFFFFFF  }
0xc3: {  	(tm) =	ssettm $0x7FFFFFFF  }
tec
execute0_lowered:
.L_overlay_start_1:
0x0: {  	(tag) =	ssettag $0x1  }
0x1: {  	s6 =	rddreg [dreg:$0x0]  }
0x2: {  	s5 =	rddreg [dreg:$0x1]  }
0x3: {  	s0 =	srdreg.scid;
	s2 =	rddreg [dreg:$0x2]  }
0x4: {  	s1 =	stileid.u32;
	s3 =	simm.s32 $0x0;
	s13 =	simm.s32 $0x50  }
0x5: {  	s14 =	simm.s32 $0x1AF80;
	s7 =	sand.u32 $0x1, s0;
	s0 =	rddreg [dreg:$0x3]  }
0x6: {  	s15 =	simm.s32 $0x1;
	[smem:$0x7FF] =	sst s3;
	s10 =	smul.u32 $0x14000, s1  }
0x7: {  	s30 =	smul.u32 $0x50000, s1;
	s16 =	sshll.u32 s1, $0x6;
	s4 =	sshll.u32 s7, $0x4  }
0x8: {  	s9 =	smul.u32 $0x140000, s7;
	_ =	strace $0x8000004A;
	s7 =	ssub.s32 $0x2, s7  }
0x9: {  	s16 =	sor.u32 $0x1C02, s16;
	s8 =	sor.u32 s1, s4;
	s31 =	sshrl.u32 s7, $0x1  }
0xa: {  	s4 =	sshll.u32 s8, $0xB;
	s9 =	sadd.s32 s10, s9;
	s8 =	smul.u32 $0x4E2, s8  }
0xb: {  	s10 =	sshrl.u32 s30, $0x2;
	s12 =	ssub.s32 s7, s31;
	s9 =	sshrl.u32 s9, $0x3  }
0xc: {  	s11 =	sadd.s32 s4, s5;
	s4 =	sadd.s32 $0x62800, s5;
	s9 =	sadd.s32 s9, s5  }
0xd: {  	s5 =	sadd.s32 s10, s2;
	s6 =	sadd.s32 s6, s8;
	s7 =	sadd.s32 $0x2800, s11  }
0xe: {  	s10 =	simm.s32 $0x14000;
	s11 =	simm.s32 $0x2;
	s8 =	sadd.s32 $0x8A800, s9  }
0xf: {  	v0 =	vimm.f32 $0.0e+00;
	s9 =	smax.u32 s12, $0x1;
	s12 =	simm.s32 $0x18800;
	s17 =	sshrl.u32 s5, $0x3  }
.LBB2_1:
0x10: {  	s18 =	simm.s32 $0x0;
	s19 =	simm.s32 $0x200  }
.LBB2_2:
0x11: {  	p0 =	sne.s32 s19, $0x1E00;
	[tilespmem:s18+$0x14070] =	vst v0  }
0x12: {  	[tilespmem:s18+$0x14000] =	vst v0  }
0x13: {  	[tilespmem:s18+$0x14010] =	vst v0  }
.Ltmp0:
0x14: {  	[tilespmem:s18+$0x14020] =	vst v0;
	(pc) =	sbr.rel @p0 .LBB2_2-.Ltmp0, $4  }
0x15: {  	[tilespmem:s18+$0x14030] =	vst v0  }
0x16: {  	[tilespmem:s18+$0x14040] =	vst v0  }
0x17: {  	[tilespmem:s18+$0x14050] =	vst v0  }
0x18: {  	[tilespmem:s18+$0x14060] =	vst v0;
	s18 =	sshra.s32 s19, $0x2;
	s19 =	sadd.s32 $0x200, s19  }
0x19: {  	[tilespmem:s18+$0x14070] =	vst v0  }
0x1a: {  	[tilespmem:s18+$0x14000] =	vst v0  }
0x1b: {  	[tilespmem:s18+$0x14010] =	vst v0  }
0x1c: {  	[tilespmem:s18+$0x14020] =	vst v0  }
0x1d: {  	[tilespmem:s18+$0x14030] =	vst v0  }
0x1e: {  	[tilespmem:s18+$0x14040] =	vst v0  }
0x1f: {  	[tilespmem:s18+$0x14050] =	vst v0  }
0x20: {  	[tilespmem:s18+$0x14060] =	vst v0;
	s31 =	sadd.s32 $0x0, s5  }
0x21: {  	[spmem:s31] =	stream.linear.scatter [tilespmem:s10], [sflag:$0x2], $0x800, $0x38;
	[tilespmem:$0x1D780] =	vst v63  }
0x22: {  	s18 =	simm.s32 $0x2000;
	_ =	swait.ge [sflag:s11], $0x800  }
.LBB2_4:
0x23: {  	s19 =	sshra.s32 s18, $0x2;
	[sflag:s11] =	ssyncset.done $0x0;
	p0 =	sne.s32 s18, $0x4E000  }
.Ltmp1:
0x24: {  	s19 =	sadd.s32 s19, s5;
	[sflag:s11] =	ssyncadd.s32 $0xFFFFF800;
	(pc) =	sbr.rel @p0 .LBB2_4-.Ltmp1, $3  }
0x25: {  	[spmem:s19] =	stream.linear.scatter [tilespmem:s10], [sflag:$0x2], $0x800, $0x38;
	[tilespmem:$0x1D780] =	vst v63  }
0x26: {  	s18 =	sadd.s32 $0x2000, s18;
	_ =	sdelay $0x1  }
0x27: {  	_ =	swait.ge [sflag:s11], $0x800  }
0x28: {  	[sflag:s11] =	ssyncset.done $0x0  }
0x29: {  	s18 =	simm.s32 $0x0;
	[sflag:s11] =	ssyncadd.s32 $0xFFFFF800  }
0x2a: {  	[tilespmem:s12], [sflag:$0x2] =	stream.linear.gather [hbm4b:s6+s18], $0x2710, $0x38;
	[tilespmem:$0x1D780] =	vst v63  }
0x2b: {  	_ =	swait.ge [sflag:s11], $0x2710  }
0x2c: {  	[sflag:s11] =	ssyncset.done $0x0  }
0x2d: {  	s19 =	simm.s32 $0x14800;
	[sflag:s11] =	ssyncadd.s32 $0xFFFFD8F0  }
0x2e: {  	[tilespmem:s19], [sflag:$0x2] =	stream.linear.gather [hbm4b:s7+s18], $0x3E80, $0x38;
	[tilespmem:$0x1D780] =	vst v63  }
0x2f: {  	_ =	swait.ge [sflag:s11], $0x3E80  }
0x30: {  	[sflag:s11] =	ssyncset.done $0x0  }
0x31: {  	[sflag:s11] =	ssyncadd.s32 $0xFFFFC180  }
0x32: {  	s31 =	simm.s32 $0x18800;
	[bflag:$0x0] =	sbarrier.arrive $0xFFFF  }
0x33: {  	[tilespmem:s14], [sflag:$0x1] =	stream.indirect.gather [hbm4b:s4+s13], $0x80, s31, s13, $0xb8;
	[tilespmem:$0x1D780] =	vst v63  }
0x34: {  	_ =	swait.ge [sflag:s15], $0x2800  }
0x35: {  	[sflag:s15] =	ssyncset.done $0x0  }
0x36: {  	[sflag:s15] =	ssyncadd.s32 $0xFFFFD800  }
0x37: {  	[spmem:s2] =	stream.indirect.scatter.add.f32 [tilespmem:s14], [sflag:$0x2], $0x80, s19, s13, $0xb8;
	[tilespmem:$0x1D780] =	vst v63  }
0x38: {  	s20 =	simm.s32 $0x50;
	_ =	swait.ge [sflag:s11], $0x2800  }
0x39: {  	s18 =	simm.s32 $0x14880;
	s19 =	simm.s32 $0x280;
	[sflag:s11] =	ssyncset.done $0x0  }
.LBB2_6:
0x3a: {  	s20 =	sadd.s32 $0x18800, s20  }
0x3b: {  	[sflag:s11] =	ssyncadd.s32 $0xFFFFD800;
	s21 =	smov.u32 s19;
	s22 =	sadd.s32 $0x140, s19  }
0x3c: {  	[tilespmem:s14], [sflag:$0x1] =	stream.indirect.gather [hbm4b:s4+s13], $0x80, s20, s13, $0xb8;
	[tilespmem:$0x1D780] =	vst v63  }
0x3d: {  	p0 =	sne.s32 s19, $0x9B00;
	_ =	swait.ge [sflag:s15], $0x2800  }
.Ltmp2:
0x3e: {  	[sflag:s15] =	ssyncset.done $0x0;
	(pc) =	sbr.rel @p0 .LBB2_6-.Ltmp2, $4  }
0x3f: {  	[sflag:s15] =	ssyncadd.s32 $0xFFFFD800  }
0x40: {  	[spmem:s2] =	stream.indirect.scatter.add.f32 [tilespmem:s14], [sflag:$0x2], $0x80, s18, s13, $0xb8;
	[tilespmem:$0x1D780] =	vst v63  }
0x41: {  	s20 =	sshra.s32 s21, $0x2;
	_ =	swait.ge [sflag:s11], $0x2800  }
0x42: {  	s19 =	smov.u32 s22;
	s18 =	sadd.s32 $0x80, s18;
	[sflag:s11] =	ssyncset.done $0x0  }
0x43: {  	s19 =	sadd.s32 $0x18800, s20;
	[sflag:s11] =	ssyncadd.s32 $0xFFFFD800  }
0x44: {  	[tilespmem:s14], [sflag:$0x1] =	stream.indirect.gather [hbm4b:s4+s13], $0x80, s19, s13, $0xb8;
	[tilespmem:$0x1D780] =	vst v63  }
0x45: {  	_ =	swait.ge [sflag:s15], $0x2800  }
0x46: {  	[sflag:s15] =	ssyncset.done $0x0  }
0x47: {  	[sflag:s15] =	ssyncadd.s32 $0xFFFFD800  }
0x48: {  	[spmem:s2] =	stream.indirect.scatter.add.f32 [tilespmem:s14], [sflag:$0x2], $0x80, s18, s13, $0xb8;
	[tilespmem:$0x1D780] =	vst v63  }
0x49: {  	_ =	swait.ge [sflag:s11], $0x2800  }
0x4a: {  	s3 =	sadd.s32 $0x1, s3;
	[sflag:s11] =	ssyncset.done $0x0  }
0x4b: {  	p0 =	sne.s32 s3, s9;
	[sflag:s11] =	ssyncadd.s32 $0xFFFFD800  }
.Ltmp3:
0x4c: {  	[bflag:$0x0] =	sbarrier.arrive $0xFFFF;
	(pc) =	sbr.rel @p0 .LBB2_1-.Ltmp3, $4  }
0x4d: {  	[hbm:s8], [sflag:s16] =	dma.local [spmem:s17], $0x2800  }
0x4e: {  	_ =	swait.ge [sflag:s11], $0x2800  }
0x4f: {  	[sflag:s11] =	ssyncset.done $0x0  }
0x50: {  	[sflag:s11] =	ssyncadd.s32 $0xFFFFD800  }
0x51: {  	_ =	sfence.sel $0x180000  }
0x52: {  	[bflag:$0x0] =	sbarrier.arrive $0xFFFF  }
0x53: {  	p0 =	sne.s32 s1, $0x0;
	_ =	strace $0x9000004A  }
0x54: {  	s0 =	sadd.s32 @!p0 $0x100000, s0;
	[bflag:$0x2] =	sbarrier.arrive $0xFFFF  }
0x55: {  	[sflag:s0] =	ssyncadd.tile.s32 @!p0 $0x1;
	_ =	shalt  }
.Lfunc_end2:
_tile_overlayer_lowered:
.L_overlay_start_2:
0x56: {  	(tag) =	ssettag $0x2  }
0x57: {  	s0 =	rddreg [dreg:$0x0];
	s2 =	stileid.u32  }
0x58: {  	s1 =	rddreg [dreg:$0x1];
	p0 =	sne.s32 s2, $0x0  }
0x59: {  	s3 =	rddreg [dreg:$0x2];
	[bflag:$0x3] =	sbarrier.arrive $0xFFFF;
	s2 =	simm.s32 @!p0 $0x1C02  }
0x5a: {  	[timem:s3], [sflag:s2] =	dma.local @!p0 [hbm:s0], s1  }
0x5b: {  	s0 =	simm.s32 @!p0 $0x2  }
0x5c: {  	_ =	swait.ge @!p0 [sflag:s0], s1  }
0x5d: {  	s1 =	ssub.s32 @!p0 $0x0, s1;
	[sflag:s0] =	ssyncset.done @!p0 $0x0  }
0x5e: {  	[sflag:s0] =	ssyncadd.s32 @!p0 s1  }
0x5f: {  	[bflag:$0x3] =	sbarrier.arrive $0xFFFF  }
0x60: {  	_ =	shalt  }

// kernel: kernel.14.cloned.1.call-start
scs
__scs_entry_jumppad:
0x0: {  	(pc) =	sbr.rel $0x88, $3  }
0x1: {  	(tag) =	ssettag $0x0;
	lr =	simm.s32 $0x1  }
0x2: {  	[smem:$0x3F9B] =	sst lr;
	_ =	strace $0xD0000000  }
0x3: {  	_ = 	snop  }
0x4: {  	_ = 	snop  }
0x5: {  	_ = 	snop  }
0x6: {  	_ = 	snop  }
0x7: {  	_ = 	snop  }
__scs_overlays_trampoline_lowered:
0x8: {  	[smem:$0x3FAA] =	sst s0  }
0x9: {  	[smem:$0x3FAB] =	sst s1  }
0xa: {  	[smem:$0x3FAC] =	sst s2  }
0xb: {  	[smem:$0x3FAD] =	sst s3  }
0xc: {  	[smem:$0x3FAE] =	sst s4  }
0xd: {  	[smem:$0x3FAF] =	sst s5  }
0xe: {  	[smem:$0x3FB0] =	sst s6  }
0xf: {  	[smem:$0x3FB1] =	sst s7  }
0x10: {  	[smem:$0x3FB2] =	sst s8  }
0x11: {  	[smem:$0x3FB3] =	sst s9;
	s0 =	simm.s32 @!p0 $0x0  }
0x12: {  	s1 =	sld [smem:$0x3F99];
	s0 =	simm.s32 @p0 $0x1  }
0x13: {  	[smem:$0x3FB4] =	sst s0;
	s0 =	simm.s32 @!p1 $0x0  }
0x14: {  	s2 =	sld [smem:$0x3F98];
	s0 =	simm.s32 @p1 $0x1  }
0x15: {  	[smem:$0x3FB5] =	sst s0;
	s0 =	simm.s32 @!p2 $0x0  }
0x16: {  	s3 =	sld [smem:$0x3FDB];
	s0 =	simm.s32 @p2 $0x1  }
0x17: {  	s4 =	simm.s32 $0x1BF5;
	[smem:$0x3FB7] =	sst s0  }
0x18: {  	s0 =	sld [smem:$0x3F9A];
	_ =	swait.ge [sflag:s4], $0x0  }
0x19: {  	s7 =	sld [smem:$0x3F9B]  }
0x1a: {  	s8 =	sadd.s32 $0xFFFFE003, lr  }
0x1b: {  	s9 =	sadd.s32 $0xFFFFFEF7, lr;
	s5 =	simm.s32 $0xFFFFFFFF;
	p2 =	slt.u32 s8, $0xFFFFF086  }
0x1c: {  	p1 =	slt.u32 s9, $0xF7A;
	s5 =	simm.s32 @!p2 $0x0  }
0x1d: {  	s5 =	simm.s32 @p1 $0x1;
	p0 =	seq.s32 s7, s2  }
0x1e: {  	s7 =	smul.u32 @!p0 $0xF7A, s2;
	p2 =	seq.s32 @!p0 s5, $0x0  }
0x1f: {  	s9 =	smul.u32 $0xF7A, s1;
	s8 =	simm.s32 @!p0 $0x1BF5;
	p2 =	por !p2, p0  }
0x20: {  	[sflag:s8] =	ssyncset.s32 @!p0 $0xFFFFF086;
	s6 =	sadd.s32 @!p0 s3, s7;
	s7 =	simm.s32 @!p0 $0x108  }
0x21: {  	s3 =	sadd.s32 s3, s9;
	s6 =	sadd.s32 @!p0 $0x88, s6;
	s7 =	simm.s32 @p2 $0x1082  }
0x22: {  	[simem:s7], [sflag:s8] =	dma.local @!p0 [hbm:s6], $0xF7A  }
0x23: {  	s9 =	sor.u32 $0xD0000000, s2;
	s6 =	simm.s32 $0x108;
	_ =	swait.ge @!p0 [sflag:s8], $0x0  }
0x24: {  	s3 =	sadd.s32 $0x88, s3;
	s6 =	simm.s32 @!p1 $0x1082;
	[sflag:s4] =	ssyncset.s32 $0xFFFFF086  }
0x25: {  	[simem:s6], [sflag:s4] =	dma.local [hbm:s3], $0xF7A  }
0x26: {  	[smem:$0x3F9B] =	sst s1;
	(tag) =	ssettag s2;
	_ =	strace s9  }
0x27: {  	s1 =	sld [smem:$0x3FAB]  }
0x28: {  	s2 =	sld [smem:$0x3FAC]  }
0x29: {  	s4 =	sld [smem:$0x3FAE]  }
0x2a: {  	p0 =	seq.s32 s5, $0x0;
	s5 =	sld [smem:$0x3FAF]  }
0x2b: {  	s6 =	sld [smem:$0x3FB0]  }
0x2c: {  	s7 =	sld [smem:$0x3FB1]  }
0x2d: {  	s3 =	simm.s32 $0x108;
	s8 =	sld [smem:$0x3FB2]  }
0x2e: {  	s3 =	simm.s32 @!p0 $0x1082;
	s9 =	sld [smem:$0x3FB3]  }
0x2f: {  	lr =	sadd.s32 s0, s3;
	s0 =	sld [smem:$0x3FAA]  }
0x30: {  	s3 =	sld [smem:$0x3FAD]  }
0x31: {  	[smem:$0x3FB6] =	sst s10  }
0x32: {  	s10 =	sld [smem:$0x3FB4];
	_ =	sdelay $0x3  }
0x33: {  	p0 =	seq.s32 s10, $0x1;
	s10 =	sld [smem:$0x3FB6];
	_ =	sdelay $0x3  }
0x34: {  	[smem:$0x3FB6] =	sst s10  }
0x35: {  	s10 =	sld [smem:$0x3FB5];
	_ =	sdelay $0x3  }
0x36: {  	p1 =	seq.s32 s10, $0x1;
	s10 =	sld [smem:$0x3FB6];
	_ =	sdelay $0x3  }
0x37: {  	[smem:$0x3FB6] =	sst s10  }
0x38: {  	s10 =	sld [smem:$0x3FB7]  }
0x39: {  	_ = 	snop;
	(pc) =	sbr.ind lr, $3  }
0x3a: {  	_ = 	snop  }
0x3b: {  	_ = 	snop  }
0x3c: {  	p2 =	seq.s32 s10, $0x1;
	s10 =	sld [smem:$0x3FB6]  }
0x3d: {  	_ =	shalt  }
0x3e: {  	_ =	shalt  }
0x3f: {  	_ =	shalt  }
0x40: {  	_ =	shalt  }
0x41: {  	_ =	shalt  }
0x42: {  	_ =	shalt  }
0x43: {  	_ =	shalt  }
0x44: {  	_ =	shalt  }
0x45: {  	_ =	shalt  }
0x46: {  	_ =	shalt  }
0x47: {  	_ =	shalt  }
0x48: {  	_ =	shalt  }
0x49: {  	_ =	shalt  }
0x4a: {  	_ =	shalt  }
0x4b: {  	_ =	shalt  }
0x4c: {  	_ =	shalt  }
0x4d: {  	_ =	shalt  }
0x4e: {  	_ =	shalt  }
0x4f: {  	_ =	shalt  }
0x50: {  	_ =	shalt  }
0x51: {  	_ =	shalt  }
0x52: {  	_ =	shalt  }
0x53: {  	_ =	shalt  }
0x54: {  	_ =	shalt  }
0x55: {  	_ =	shalt  }
0x56: {  	_ =	shalt  }
0x57: {  	_ =	shalt  }
0x58: {  	_ =	shalt  }
0x59: {  	_ =	shalt  }
0x5a: {  	_ =	shalt  }
0x5b: {  	_ =	shalt  }
0x5c: {  	_ =	shalt  }
0x5d: {  	_ =	shalt  }
0x5e: {  	_ =	shalt  }
0x5f: {  	_ =	shalt  }
0x60: {  	_ =	shalt  }
0x61: {  	_ =	shalt  }
0x62: {  	_ =	shalt  }
0x63: {  	_ =	shalt  }
0x64: {  	_ =	shalt  }
0x65: {  	_ =	shalt  }
0x66: {  	_ =	shalt  }
0x67: {  	_ =	shalt  }
0x68: {  	_ =	shalt  }
0x69: {  	_ =	shalt  }
0x6a: {  	_ =	shalt  }
0x6b: {  	_ =	shalt  }
0x6c: {  	_ =	shalt  }
0x6d: {  	_ =	shalt  }
0x6e: {  	_ =	shalt  }
0x6f: {  	_ =	shalt  }
0x70: {  	_ =	shalt  }
0x71: {  	_ =	shalt  }
0x72: {  	_ =	shalt  }
0x73: {  	_ =	shalt  }
0x74: {  	_ =	shalt  }
0x75: {  	_ =	shalt  }
0x76: {  	_ =	shalt  }
0x77: {  	_ =	shalt  }
0x78: {  	_ =	shalt  }
0x79: {  	_ =	shalt  }
0x7a: {  	_ =	shalt  }
0x7b: {  	_ =	shalt  }
0x7c: {  	_ =	shalt  }
0x7d: {  	_ =	shalt  }
0x7e: {  	_ =	shalt  }
0x7f: {  	_ =	shalt  }
0x80: {  	_ =	shalt  }
0x81: {  	_ =	shalt  }
0x82: {  	_ =	shalt  }
0x83: {  	_ =	shalt  }
0x84: {  	_ =	shalt  }
0x85: {  	_ =	shalt  }
0x86: {  	_ =	shalt  }
0x87: {  	_ =	shalt  }
.Lfunc_end0:
.L_simem_size_0:
called_computation.2_lowered:
.L_overlay_start_0:
0x88: {  	s2 =	sld [smem:$0x3FD9]  }
0x89: {  	s3 =	sld [smem:$0x3FFE];
	_ =	sdelay $0x1  }
0x8a: {  	s1 =	srdreg.scid  }
0x8b: {  	s0 =	sand.u32 $0x1, s1  }
0x8c: {  	s17 =	sshll.u32 s0, $0xA;
	s2 =	sadd.s32 s3, s2  }
0x8d: {  	s2 =	sadd.s32 s2, s17  }
0x8e: {  	[smem:$0x3FC2] =	sst s2  }
0x8f: {  	_ = 	snop  }
0x90: {  	s2 =	sld [smem:$0x3FD0];
	(tm) =	ssettm $0x1  }
0x91: {  	s18 =	sld [smem:$0x3FFB];
	_ =	sdelay $0x3  }
0x92: {  	_ =	strace s18  }
0x93: {  	s3 =	sld [smem:$0x3FFC];
	_ =	sdelay $0x3  }
0x94: {  	_ =	strace s3  }
0x95: {  	s3 =	sld [smem:$0x3FFD];
	_ =	sdelay $0x3  }
0x96: {  	_ =	strace s3  }
0x97: {  	_ =	strace $0x8FFFFFFF  }
0x98: {  	s19 =	sld [smem:$0x3FDB];
	_ =	sdelay $0x1  }
0x99: {  	s4 =	simm.s32 $_scs_section_size  }
0x9a: {  	s5 =	simm.s32 $_size__tile_overlayer_lowered;
	s6 =	simm.s32 $_tile_overlayer_lowered  }
0x9b: {  	s22 =	simm.s32 $0x1BFF;
	s21 =	sshll.u32 s6, $0x1;
	s3 =	sadd.s32 s4, s19  }
0x9c: {  	s7 =	simm.s32 $0x0;
	s20 =	sshll.u32 s5, $0x1;
	s5 =	sadd.s32 s21, s3  }
0x9d: {  	[timem:s7], [sflag:s22] =	dma.local [hbm:s5], s20  }
0x9e: {  	_ =	swait.ge [sflag:s22], s20  }
0x9f: {  	s4 =	ssub.s32 $0x0, s20;
	[sflag:s22] =	ssyncset.done $0x0  }
0xa0: {  	[sflag:s22] =	ssyncadd.s32 s4;
	_ =	sdelay $0x1  }
0xa1: {  	s23 =	simm.s32 $0x1B8B  }
0xa2: {  	_ =	swait.ge [sflag:s23], $0x1  }
0xa3: {  	[sflag:s23] =	ssyncset.done $0x0  }
0xa4: {  	s25 =	simm.s32 $0x1B8E;
	s24 =	sld [smem:$0x3FFE];
	[sflag:s23] =	ssyncadd.s32 $0xFFFFFFFF  }
0xa5: {  	s26 =	simm.s32 $execute0_lowered;
	[smem:$0x3FD2] =	sst s25  }
0xa6: {  	s5 =	sshll.u32 s26, $0x1;
	_ =	strace $0x8000004C;
	[dreg:$0x1] =	wrdreg $0xFFFFFFFF  }
0xa7: {  	s28 =	simm.s32 $_size_execute0_lowered;
	s3 =	sadd.s32 s3, s5;
	[dreg:$0x0] =	wrdreg $0x0  }
0xa8: {  	s5 =	sshll.u32 s28, $0x1;
	[dreg:$0x2] =	wrdreg s3  }
0xa9: {  	[dreg:$0x3] =	wrdreg s5  }
0xaa: {  	[dreg:$0x4] =	wrdreg $0xC0  }
0xab: {  	_ =	task [dreg:s7], $0x5FFFF  }
0xac: {  	[dreg:$0x1] =	wrdreg $0xFFFFFFFF  }
0xad: {  	[dreg:$0x0] =	wrdreg $0x60  }
0xae: {  	[dreg:$0x2] =	wrdreg s2  }
0xaf: {  	[dreg:$0x3] =	wrdreg s24  }
0xb0: {  	[dreg:$0x4] =	wrdreg $0x0  }
0xb1: {  	[dreg:$0x5] =	wrdreg $0x9  }
0xb2: {  	_ =	task.clear_ibuf [dreg:s7], $0x6FFFF;
	_ =	strace $0x9000004C  }
0xb3: {  	s29 =	simm.s32 $0x9;
	_ =	strace $0x8000004E  }
0xb4: {  	_ =	swait.ge [sflag:s29], $0x1  }
0xb5: {  	[sflag:s29] =	ssyncadd.s32 $0xFFFFFFFF  }
0xb6: {  	_ =	strace $0x9000004E  }
0xb7: {  	_ =	sfence  }
0xb8: {  	s30 =	sld [smem:$0x0];
	_ =	sdelay $0x2  }
0xb9: {  	s31 =	sshll.u32 s1, $0xD;
	s1 =	sshrl.u32 s1, $0x2  }
0xba: {  	s3 =	sand.u32 $0x4000, s31;
	s1 =	sadd.s32 s1, s30  }
0xbb: {  	s0 =	sor.u32 s3, s0;
	s1 =	sshll.u32 s1, $0x11  }
0xbc: {  	s0 =	sor.u32 s1, s0  }
0xbd: {  	s0 =	sadd.s32 $0x8F2B, s0  }
0xbe: {  	[sflag:s0] =	ssyncadd.remote.s32 $0x1  }
0xbf: {  	_ =	sfence.sel $0xFFFF  }
0xc0: {  	[dreg:$0x0] =	wrdreg $0xFFFFFFFF;
	(pc) =	sbr.abs _section_cstart, $3  }
0xc1: {  	[dreg:$0x1] =	wrdreg $0xFFFFFFFF  }
0xc2: {  	_ =	task.clear_ibuf [dreg:s7], $0x2FFFF;
	_ =	strace $0x9FFFFFFF  }
0xc3: {  	(tm) =	ssettm $0x7FFFFFFF  }
tec
execute0_lowered:
.L_overlay_start_1:
0x0: {  	(tag) =	ssettag $0x1  }
0x1: {  	s6 =	rddreg [dreg:$0x0]  }
0x2: {  	s5 =	rddreg [dreg:$0x1]  }
0x3: {  	s0 =	srdreg.scid;
	s2 =	rddreg [dreg:$0x2]  }
0x4: {  	s1 =	stileid.u32;
	s3 =	simm.s32 $0x0;
	s13 =	simm.s32 $0x50  }
0x5: {  	s14 =	simm.s32 $0x1AF80;
	s7 =	sand.u32 $0x1, s0;
	s0 =	rddreg [dreg:$0x3]  }
0x6: {  	s15 =	simm.s32 $0x1;
	[smem:$0x7FF] =	sst s3;
	s10 =	smul.u32 $0x14000, s1  }
0x7: {  	s30 =	smul.u32 $0x50000, s1;
	s16 =	sshll.u32 s1, $0x6;
	s4 =	sshll.u32 s7, $0x4  }
0x8: {  	s9 =	smul.u32 $0x140000, s7;
	_ =	strace $0x8000004D;
	s7 =	ssub.s32 $0x2, s7  }
0x9: {  	s16 =	sor.u32 $0x1C02, s16;
	s8 =	sor.u32 s1, s4;
	s31 =	sshrl.u32 s7, $0x1  }
0xa: {  	s4 =	sshll.u32 s8, $0xB;
	s9 =	sadd.s32 s10, s9;
	s8 =	smul.u32 $0x4E2, s8  }
0xb: {  	s10 =	sshrl.u32 s30, $0x2;
	s12 =	ssub.s32 s7, s31;
	s9 =	sshrl.u32 s9, $0x3  }
0xc: {  	s11 =	sadd.s32 s4, s5;
	s4 =	sadd.s32 $0x62800, s5;
	s9 =	sadd.s32 s9, s5  }
0xd: {  	s5 =	sadd.s32 s10, s2;
	s6 =	sadd.s32 s6, s8;
	s7 =	sadd.s32 $0x2800, s11  }
0xe: {  	s10 =	simm.s32 $0x14000;
	s11 =	simm.s32 $0x2;
	s8 =	sadd.s32 $0x8A800, s9  }
0xf: {  	v0 =	vimm.f32 $0.0e+00;
	s9 =	smax.u32 s12, $0x1;
	s12 =	simm.s32 $0x18800;
	s17 =	sshrl.u32 s5, $0x3  }
.LBB2_1:
0x10: {  	s18 =	simm.s32 $0x0;
	s19 =	simm.s32 $0x200  }
.LBB2_2:
0x11: {  	p0 =	sne.s32 s19, $0x1E00;
	[tilespmem:s18+$0x14070] =	vst v0  }
0x12: {  	[tilespmem:s18+$0x14000] =	vst v0  }
0x13: {  	[tilespmem:s18+$0x14010] =	vst v0  }
.Ltmp0:
0x14: {  	[tilespmem:s18+$0x14020] =	vst v0;
	(pc) =	sbr.rel @p0 .LBB2_2-.Ltmp0, $4  }
0x15: {  	[tilespmem:s18+$0x14030] =	vst v0  }
0x16: {  	[tilespmem:s18+$0x14040] =	vst v0  }
0x17: {  	[tilespmem:s18+$0x14050] =	vst v0  }
0x18: {  	[tilespmem:s18+$0x14060] =	vst v0;
	s18 =	sshra.s32 s19, $0x2;
	s19 =	sadd.s32 $0x200, s19  }
0x19: {  	[tilespmem:s18+$0x14070] =	vst v0  }
0x1a: {  	[tilespmem:s18+$0x14000] =	vst v0  }
0x1b: {  	[tilespmem:s18+$0x14010] =	vst v0  }
0x1c: {  	[tilespmem:s18+$0x14020] =	vst v0  }
0x1d: {  	[tilespmem:s18+$0x14030] =	vst v0  }
0x1e: {  	[tilespmem:s18+$0x14040] =	vst v0  }
0x1f: {  	[tilespmem:s18+$0x14050] =	vst v0  }
0x20: {  	[tilespmem:s18+$0x14060] =	vst v0;
	s31 =	sadd.s32 $0x0, s5  }
0x21: {  	[spmem:s31] =	stream.linear.scatter [tilespmem:s10], [sflag:$0x2], $0x800, $0x38;
	[tilespmem:$0x1D780] =	vst v63  }
0x22: {  	s18 =	simm.s32 $0x2000;
	_ =	swait.ge [sflag:s11], $0x800  }
.LBB2_4:
0x23: {  	s19 =	sshra.s32 s18, $0x2;
	[sflag:s11] =	ssyncset.done $0x0;
	p0 =	sne.s32 s18, $0x4E000  }
.Ltmp1:
0x24: {  	s19 =	sadd.s32 s19, s5;
	[sflag:s11] =	ssyncadd.s32 $0xFFFFF800;
	(pc) =	sbr.rel @p0 .LBB2_4-.Ltmp1, $3  }
0x25: {  	[spmem:s19] =	stream.linear.scatter [tilespmem:s10], [sflag:$0x2], $0x800, $0x38;
	[tilespmem:$0x1D780] =	vst v63  }
0x26: {  	s18 =	sadd.s32 $0x2000, s18;
	_ =	sdelay $0x1  }
0x27: {  	_ =	swait.ge [sflag:s11], $0x800  }
0x28: {  	[sflag:s11] =	ssyncset.done $0x0  }
0x29: {  	s18 =	simm.s32 $0x0;
	[sflag:s11] =	ssyncadd.s32 $0xFFFFF800  }
0x2a: {  	[tilespmem:s12], [sflag:$0x2] =	stream.linear.gather [hbm4b:s6+s18], $0x2710, $0x38;
	[tilespmem:$0x1D780] =	vst v63  }
0x2b: {  	_ =	swait.ge [sflag:s11], $0x2710  }
0x2c: {  	[sflag:s11] =	ssyncset.done $0x0  }
0x2d: {  	s19 =	simm.s32 $0x14800;
	[sflag:s11] =	ssyncadd.s32 $0xFFFFD8F0  }
0x2e: {  	[tilespmem:s19], [sflag:$0x2] =	stream.linear.gather [hbm4b:s7+s18], $0x3E80, $0x38;
	[tilespmem:$0x1D780] =	vst v63  }
0x2f: {  	_ =	swait.ge [sflag:s11], $0x3E80  }
0x30: {  	[sflag:s11] =	ssyncset.done $0x0  }
0x31: {  	[sflag:s11] =	ssyncadd.s32 $0xFFFFC180  }
0x32: {  	s31 =	simm.s32 $0x18800;
	[bflag:$0x0] =	sbarrier.arrive $0xFFFF  }
0x33: {  	[tilespmem:s14], [sflag:$0x1] =	stream.indirect.gather [hbm4b:s4+s13], $0x80, s31, s13, $0xb8;
	[tilespmem:$0x1D780] =	vst v63  }
0x34: {  	_ =	swait.ge [sflag:s15], $0x2800  }
0x35: {  	[sflag:s15] =	ssyncset.done $0x0  }
0x36: {  	[sflag:s15] =	ssyncadd.s32 $0xFFFFD800  }
0x37: {  	[spmem:s2] =	stream.indirect.scatter.add.f32 [tilespmem:s14], [sflag:$0x2], $0x80, s19, s13, $0xb8;
	[tilespmem:$0x1D780] =	vst v63  }
0x38: {  	s20 =	simm.s32 $0x50;
	_ =	swait.ge [sflag:s11], $0x2800  }
0x39: {  	s18 =	simm.s32 $0x14880;
	s19 =	simm.s32 $0x280;
	[sflag:s11] =	ssyncset.done $0x0  }
.LBB2_6:
0x3a: {  	s20 =	sadd.s32 $0x18800, s20  }
0x3b: {  	[sflag:s11] =	ssyncadd.s32 $0xFFFFD800;
	s21 =	smov.u32 s19;
	s22 =	sadd.s32 $0x140, s19  }
0x3c: {  	[tilespmem:s14], [sflag:$0x1] =	stream.indirect.gather [hbm4b:s4+s13], $0x80, s20, s13, $0xb8;
	[tilespmem:$0x1D780] =	vst v63  }
0x3d: {  	p0 =	sne.s32 s19, $0x9B00;
	_ =	swait.ge [sflag:s15], $0x2800  }
.Ltmp2:
0x3e: {  	[sflag:s15] =	ssyncset.done $0x0;
	(pc) =	sbr.rel @p0 .LBB2_6-.Ltmp2, $4  }
0x3f: {  	[sflag:s15] =	ssyncadd.s32 $0xFFFFD800  }
0x40: {  	[spmem:s2] =	stream.indirect.scatter.add.f32 [tilespmem:s14], [sflag:$0x2], $0x80, s18, s13, $0xb8;
	[tilespmem:$0x1D780] =	vst v63  }
0x41: {  	s20 =	sshra.s32 s21, $0x2;
	_ =	swait.ge [sflag:s11], $0x2800  }
0x42: {  	s19 =	smov.u32 s22;
	s18 =	sadd.s32 $0x80, s18;
	[sflag:s11] =	ssyncset.done $0x0  }
0x43: {  	s19 =	sadd.s32 $0x18800, s20;
	[sflag:s11] =	ssyncadd.s32 $0xFFFFD800  }
0x44: {  	[tilespmem:s14], [sflag:$0x1] =	stream.indirect.gather [hbm4b:s4+s13], $0x80, s19, s13, $0xb8;
	[tilespmem:$0x1D780] =	vst v63  }
0x45: {  	_ =	swait.ge [sflag:s15], $0x2800  }
0x46: {  	[sflag:s15] =	ssyncset.done $0x0  }
0x47: {  	[sflag:s15] =	ssyncadd.s32 $0xFFFFD800  }
0x48: {  	[spmem:s2] =	stream.indirect.scatter.add.f32 [tilespmem:s14], [sflag:$0x2], $0x80, s18, s13, $0xb8;
	[tilespmem:$0x1D780] =	vst v63  }
0x49: {  	_ =	swait.ge [sflag:s11], $0x2800  }
0x4a: {  	s3 =	sadd.s32 $0x1, s3;
	[sflag:s11] =	ssyncset.done $0x0  }
0x4b: {  	p0 =	sne.s32 s3, s9;
	[sflag:s11] =	ssyncadd.s32 $0xFFFFD800  }
.Ltmp3:
0x4c: {  	[bflag:$0x0] =	sbarrier.arrive $0xFFFF;
	(pc) =	sbr.rel @p0 .LBB2_1-.Ltmp3, $4  }
0x4d: {  	[hbm:s8], [sflag:s16] =	dma.local [spmem:s17], $0x2800  }
0x4e: {  	_ =	swait.ge [sflag:s11], $0x2800  }
0x4f: {  	[sflag:s11] =	ssyncset.done $0x0  }
0x50: {  	[sflag:s11] =	ssyncadd.s32 $0xFFFFD800  }
0x51: {  	_ =	sfence.sel $0x180000  }
0x52: {  	[bflag:$0x0] =	sbarrier.arrive $0xFFFF  }
0x53: {  	p0 =	sne.s32 s1, $0x0;
	_ =	strace $0x9000004D  }
0x54: {  	s0 =	sadd.s32 @!p0 $0x100000, s0;
	[bflag:$0x2] =	sbarrier.arrive $0xFFFF  }
0x55: {  	[sflag:s0] =	ssyncadd.tile.s32 @!p0 $0x1;
	_ =	shalt  }
.Lfunc_end2:
_tile_overlayer_lowered:
.L_overlay_start_2:
0x56: {  	(tag) =	ssettag $0x2  }
0x57: {  	s0 =	rddreg [dreg:$0x0];
	s2 =	stileid.u32  }
0x58: {  	s1 =	rddreg [dreg:$0x1];
	p0 =	sne.s32 s2, $0x0  }
0x59: {  	s3 =	rddreg [dreg:$0x2];
	[bflag:$0x3] =	sbarrier.arrive $0xFFFF;
	s2 =	simm.s32 @!p0 $0x1C02  }
0x5a: {  	[timem:s3], [sflag:s2] =	dma.local @!p0 [hbm:s0], s1  }
0x5b: {  	s0 =	simm.s32 @!p0 $0x2  }
0x5c: {  	_ =	swait.ge @!p0 [sflag:s0], s1  }
0x5d: {  	s1 =	ssub.s32 @!p0 $0x0, s1;
	[sflag:s0] =	ssyncset.done @!p0 $0x0  }
0x5e: {  	[sflag:s0] =	ssyncadd.s32 @!p0 s1  }
0x5f: {  	[bflag:$0x3] =	sbarrier.arrive $0xFFFF  }
0x60: {  	_ =	shalt  }

// kernel: kernel.8.cloned.1.call-start
scs
__scs_entry_jumppad:
0x0: {  	(pc) =	sbr.rel $0x88, $3  }
0x1: {  	(tag) =	ssettag $0x0;
	lr =	simm.s32 $0x1  }
0x2: {  	[smem:$0x3F9B] =	sst lr;
	_ =	strace $0xD0000000  }
0x3: {  	_ = 	snop  }
0x4: {  	_ = 	snop  }
0x5: {  	_ = 	snop  }
0x6: {  	_ = 	snop  }
0x7: {  	_ = 	snop  }
__scs_overlays_trampoline_lowered:
0x8: {  	[smem:$0x3FAA] =	sst s0  }
0x9: {  	[smem:$0x3FAB] =	sst s1  }
0xa: {  	[smem:$0x3FAC] =	sst s2  }
0xb: {  	[smem:$0x3FAD] =	sst s3  }
0xc: {  	[smem:$0x3FAE] =	sst s4  }
0xd: {  	[smem:$0x3FAF] =	sst s5  }
0xe: {  	[smem:$0x3FB0] =	sst s6  }
0xf: {  	[smem:$0x3FB1] =	sst s7  }
0x10: {  	[smem:$0x3FB2] =	sst s8  }
0x11: {  	[smem:$0x3FB3] =	sst s9;
	s0 =	simm.s32 @!p0 $0x0  }
0x12: {  	s1 =	sld [smem:$0x3F99];
	s0 =	simm.s32 @p0 $0x1  }
0x13: {  	[smem:$0x3FB4] =	sst s0;
	s0 =	simm.s32 @!p1 $0x0  }
0x14: {  	s2 =	sld [smem:$0x3F98];
	s0 =	simm.s32 @p1 $0x1  }
0x15: {  	[smem:$0x3FB5] =	sst s0;
	s0 =	simm.s32 @!p2 $0x0  }
0x16: {  	s3 =	sld [smem:$0x3FDB];
	s0 =	simm.s32 @p2 $0x1  }
0x17: {  	s4 =	simm.s32 $0x1BF5;
	[smem:$0x3FB7] =	sst s0  }
0x18: {  	s0 =	sld [smem:$0x3F9A];
	_ =	swait.ge [sflag:s4], $0x0  }
0x19: {  	s7 =	sld [smem:$0x3F9B]  }
0x1a: {  	s8 =	sadd.s32 $0xFFFFE003, lr  }
0x1b: {  	s9 =	sadd.s32 $0xFFFFFEF7, lr;
	s5 =	simm.s32 $0xFFFFFFFF;
	p2 =	slt.u32 s8, $0xFFFFF086  }
0x1c: {  	p1 =	slt.u32 s9, $0xF7A;
	s5 =	simm.s32 @!p2 $0x0  }
0x1d: {  	s5 =	simm.s32 @p1 $0x1;
	p0 =	seq.s32 s7, s2  }
0x1e: {  	s7 =	smul.u32 @!p0 $0xF7A, s2;
	p2 =	seq.s32 @!p0 s5, $0x0  }
0x1f: {  	s9 =	smul.u32 $0xF7A, s1;
	s8 =	simm.s32 @!p0 $0x1BF5;
	p2 =	por !p2, p0  }
0x20: {  	[sflag:s8] =	ssyncset.s32 @!p0 $0xFFFFF086;
	s6 =	sadd.s32 @!p0 s3, s7;
	s7 =	simm.s32 @!p0 $0x108  }
0x21: {  	s3 =	sadd.s32 s3, s9;
	s6 =	sadd.s32 @!p0 $0x88, s6;
	s7 =	simm.s32 @p2 $0x1082  }
0x22: {  	[simem:s7], [sflag:s8] =	dma.local @!p0 [hbm:s6], $0xF7A  }
0x23: {  	s9 =	sor.u32 $0xD0000000, s2;
	s6 =	simm.s32 $0x108;
	_ =	swait.ge @!p0 [sflag:s8], $0x0  }
0x24: {  	s3 =	sadd.s32 $0x88, s3;
	s6 =	simm.s32 @!p1 $0x1082;
	[sflag:s4] =	ssyncset.s32 $0xFFFFF086  }
0x25: {  	[simem:s6], [sflag:s4] =	dma.local [hbm:s3], $0xF7A  }
0x26: {  	[smem:$0x3F9B] =	sst s1;
	(tag) =	ssettag s2;
	_ =	strace s9  }
0x27: {  	s1 =	sld [smem:$0x3FAB]  }
0x28: {  	s2 =	sld [smem:$0x3FAC]  }
0x29: {  	s4 =	sld [smem:$0x3FAE]  }
0x2a: {  	p0 =	seq.s32 s5, $0x0;
	s5 =	sld [smem:$0x3FAF]  }
0x2b: {  	s6 =	sld [smem:$0x3FB0]  }
0x2c: {  	s7 =	sld [smem:$0x3FB1]  }
0x2d: {  	s3 =	simm.s32 $0x108;
	s8 =	sld [smem:$0x3FB2]  }
0x2e: {  	s3 =	simm.s32 @!p0 $0x1082;
	s9 =	sld [smem:$0x3FB3]  }
0x2f: {  	lr =	sadd.s32 s0, s3;
	s0 =	sld [smem:$0x3FAA]  }
0x30: {  	s3 =	sld [smem:$0x3FAD]  }
0x31: {  	[smem:$0x3FB6] =	sst s10  }
0x32: {  	s10 =	sld [smem:$0x3FB4];
	_ =	sdelay $0x3  }
0x33: {  	p0 =	seq.s32 s10, $0x1;
	s10 =	sld [smem:$0x3FB6];
	_ =	sdelay $0x3  }
0x34: {  	[smem:$0x3FB6] =	sst s10  }
0x35: {  	s10 =	sld [smem:$0x3FB5];
	_ =	sdelay $0x3  }
0x36: {  	p1 =	seq.s32 s10, $0x1;
	s10 =	sld [smem:$0x3FB6];
	_ =	sdelay $0x3  }
0x37: {  	[smem:$0x3FB6] =	sst s10  }
0x38: {  	s10 =	sld [smem:$0x3FB7]  }
0x39: {  	_ = 	snop;
	(pc) =	sbr.ind lr, $3  }
0x3a: {  	_ = 	snop  }
0x3b: {  	_ = 	snop  }
0x3c: {  	p2 =	seq.s32 s10, $0x1;
	s10 =	sld [smem:$0x3FB6]  }
0x3d: {  	_ =	shalt  }
0x3e: {  	_ =	shalt  }
0x3f: {  	_ =	shalt  }
0x40: {  	_ =	shalt  }
0x41: {  	_ =	shalt  }
0x42: {  	_ =	shalt  }
0x43: {  	_ =	shalt  }
0x44: {  	_ =	shalt  }
0x45: {  	_ =	shalt  }
0x46: {  	_ =	shalt  }
0x47: {  	_ =	shalt  }
0x48: {  	_ =	shalt  }
0x49: {  	_ =	shalt  }
0x4a: {  	_ =	shalt  }
0x4b: {  	_ =	shalt  }
0x4c: {  	_ =	shalt  }
0x4d: {  	_ =	shalt  }
0x4e: {  	_ =	shalt  }
0x4f: {  	_ =	shalt  }
0x50: {  	_ =	shalt  }
0x51: {  	_ =	shalt  }
0x52: {  	_ =	shalt  }
0x53: {  	_ =	shalt  }
0x54: {  	_ =	shalt  }
0x55: {  	_ =	shalt  }
0x56: {  	_ =	shalt  }
0x57: {  	_ =	shalt  }
0x58: {  	_ =	shalt  }
0x59: {  	_ =	shalt  }
0x5a: {  	_ =	shalt  }
0x5b: {  	_ =	shalt  }
0x5c: {  	_ =	shalt  }
0x5d: {  	_ =	shalt  }
0x5e: {  	_ =	shalt  }
0x5f: {  	_ =	shalt  }
0x60: {  	_ =	shalt  }
0x61: {  	_ =	shalt  }
0x62: {  	_ =	shalt  }
0x63: {  	_ =	shalt  }
0x64: {  	_ =	shalt  }
0x65: {  	_ =	shalt  }
0x66: {  	_ =	shalt  }
0x67: {  	_ =	shalt  }
0x68: {  	_ =	shalt  }
0x69: {  	_ =	shalt  }
0x6a: {  	_ =	shalt  }
0x6b: {  	_ =	shalt  }
0x6c: {  	_ =	shalt  }
0x6d: {  	_ =	shalt  }
0x6e: {  	_ =	shalt  }
0x6f: {  	_ =	shalt  }
0x70: {  	_ =	shalt  }
0x71: {  	_ =	shalt  }
0x72: {  	_ =	shalt  }
0x73: {  	_ =	shalt  }
0x74: {  	_ =	shalt  }
0x75: {  	_ =	shalt  }
0x76: {  	_ =	shalt  }
0x77: {  	_ =	shalt  }
0x78: {  	_ =	shalt  }
0x79: {  	_ =	shalt  }
0x7a: {  	_ =	shalt  }
0x7b: {  	_ =	shalt  }
0x7c: {  	_ =	shalt  }
0x7d: {  	_ =	shalt  }
0x7e: {  	_ =	shalt  }
0x7f: {  	_ =	shalt  }
0x80: {  	_ =	shalt  }
0x81: {  	_ =	shalt  }
0x82: {  	_ =	shalt  }
0x83: {  	_ =	shalt  }
0x84: {  	_ =	shalt  }
0x85: {  	_ =	shalt  }
0x86: {  	_ =	shalt  }
0x87: {  	_ =	shalt  }
.Lfunc_end0:
.L_simem_size_0:
called_computation_lowered:
.L_overlay_start_0:
0x88: {  	s2 =	sld [smem:$0x3FD9]  }
0x89: {  	s3 =	sld [smem:$0x3FFE];
	_ =	sdelay $0x1  }
0x8a: {  	s1 =	srdreg.scid  }
0x8b: {  	s0 =	sand.u32 $0x1, s1  }
0x8c: {  	s16 =	sshll.u32 s0, $0xA;
	s2 =	sadd.s32 s3, s2  }
0x8d: {  	s2 =	sadd.s32 s2, s16  }
0x8e: {  	[smem:$0x3FC2] =	sst s2  }
0x8f: {  	_ = 	snop  }
0x90: {  	(tm) =	ssettm $0x1  }
0x91: {  	s17 =	sld [smem:$0x3FFB];
	_ =	sdelay $0x3  }
0x92: {  	_ =	strace s17  }
0x93: {  	s2 =	sld [smem:$0x3FFC];
	_ =	sdelay $0x3  }
0x94: {  	_ =	strace s2  }
0x95: {  	s2 =	sld [smem:$0x3FFD];
	_ =	sdelay $0x3  }
0x96: {  	_ =	strace s2  }
0x97: {  	_ =	strace $0x8FFFFFFF  }
0x98: {  	s18 =	sld [smem:$0x3FDB];
	_ =	sdelay $0x1  }
0x99: {  	s19 =	simm.s32 $_scs_section_size  }
0x9a: {  	s4 =	simm.s32 $_size__tile_overlayer_lowered;
	s5 =	simm.s32 $_tile_overlayer_lowered  }
0x9b: {  	s22 =	simm.s32 $0x1BFF;
	s21 =	sshll.u32 s5, $0x1;
	s2 =	sadd.s32 s19, s18  }
0x9c: {  	s6 =	simm.s32 $0x0;
	s20 =	sshll.u32 s4, $0x1;
	s4 =	sadd.s32 s21, s2  }
0x9d: {  	[timem:s6], [sflag:s22] =	dma.local [hbm:s4], s20  }
0x9e: {  	_ =	swait.ge [sflag:s22], s20  }
0x9f: {  	s3 =	ssub.s32 $0x0, s20;
	[sflag:s22] =	ssyncset.done $0x0  }
0xa0: {  	[sflag:s22] =	ssyncadd.s32 s3;
	_ =	sdelay $0x1  }
0xa1: {  	s23 =	simm.s32 $0x1B8B  }
0xa2: {  	_ =	swait.ge [sflag:s23], $0x1  }
0xa3: {  	[sflag:s23] =	ssyncset.done $0x0  }
0xa4: {  	s25 =	simm.s32 $0x1B8E;
	s24 =	sld [smem:$0x3FFE];
	[sflag:s23] =	ssyncadd.s32 $0xFFFFFFFF  }
0xa5: {  	s26 =	simm.s32 $execute0_lowered;
	[smem:$0x3FD2] =	sst s25  }
0xa6: {  	s4 =	sshll.u32 s26, $0x1;
	_ =	strace $0x80000046;
	[dreg:$0x1] =	wrdreg $0xFFFFFFFF  }
0xa7: {  	s28 =	simm.s32 $_size_execute0_lowered;
	s2 =	sadd.s32 s2, s4;
	[dreg:$0x0] =	wrdreg $0x0  }
0xa8: {  	s4 =	sshll.u32 s28, $0x1;
	[dreg:$0x2] =	wrdreg s2  }
0xa9: {  	[dreg:$0x3] =	wrdreg s4  }
0xaa: {  	[dreg:$0x4] =	wrdreg $0xC0  }
0xab: {  	_ =	task [dreg:s6], $0x5FFFF  }
0xac: {  	[dreg:$0x1] =	wrdreg $0xFFFFFFFF  }
0xad: {  	[dreg:$0x0] =	wrdreg $0x60  }
0xae: {  	[dreg:$0x2] =	wrdreg s24  }
0xaf: {  	[dreg:$0x3] =	wrdreg $0x0  }
0xb0: {  	[dreg:$0x4] =	wrdreg $0x9  }
0xb1: {  	_ =	task.clear_ibuf [dreg:s6], $0x5FFFF;
	_ =	strace $0x90000046  }
0xb2: {  	s29 =	simm.s32 $0x9;
	_ =	strace $0x80000048  }
0xb3: {  	_ =	swait.ge [sflag:s29], $0x1  }
0xb4: {  	[sflag:s29] =	ssyncadd.s32 $0xFFFFFFFF  }
0xb5: {  	_ =	strace $0x90000048  }
0xb6: {  	_ =	sfence  }
0xb7: {  	s30 =	sld [smem:$0x0];
	_ =	sdelay $0x2  }
0xb8: {  	s31 =	sshll.u32 s1, $0xD;
	s1 =	sshrl.u32 s1, $0x2  }
0xb9: {  	s3 =	sand.u32 $0x4000, s31;
	s1 =	sadd.s32 s1, s30  }
0xba: {  	s0 =	sor.u32 s3, s0;
	s1 =	sshll.u32 s1, $0x11  }
0xbb: {  	s0 =	sor.u32 s1, s0  }
0xbc: {  	s0 =	sadd.s32 $0x8F2B, s0  }
0xbd: {  	[sflag:s0] =	ssyncadd.remote.s32 $0x1  }
0xbe: {  	_ =	sfence.sel $0xFFFF  }
0xbf: {  	[dreg:$0x0] =	wrdreg $0xFFFFFFFF;
	(pc) =	sbr.abs _section_cstart, $3  }
0xc0: {  	[dreg:$0x1] =	wrdreg $0xFFFFFFFF  }
0xc1: {  	_ =	task.clear_ibuf [dreg:s6], $0x2FFFF;
	_ =	strace $0x9FFFFFFF  }
0xc2: {  	(tm) =	ssettm $0x7FFFFFFF  }
0xc3: {  	_ =	shalt  }
tec
execute0_lowered:
.L_overlay_start_1:
0x0: {  	(tag) =	ssettag $0x1  }
0x1: {  	s4 =	rddreg [dreg:$0x0];
	s0 =	srdreg.scid  }
0x2: {  	s2 =	rddreg [dreg:$0x1];
	s1 =	stileid.u32;
	s3 =	simm.s32 $0x0  }
0x3: {  	s10 =	simm.s32 $0x5800;
	s11 =	simm.s32 $0x50;
	s12 =	simm.s32 $0x3000  }
0x4: {  	s5 =	sand.u32 $0x1, s0;
	s0 =	rddreg [dreg:$0x2];
	s7 =	smul.u32 $0x14000, s1  }
0x5: {  	[smem:$0x7FF] =	sst s3;
	s8 =	sshll.u32 s1, $0xB;
	s9 =	smul.u32 $0x50000, s1  }
0x6: {  	s13 =	sshll.u32 s1, $0x6;
	s6 =	smul.u32 $0x140000, s5;
	_ =	strace $0x80000047  }
0x7: {  	s8 =	sadd.s32 s8, s4;
	s29 =	ssub.s32 $0x2, s5;
	s5 =	sshll.u32 s5, $0xF  }
0x8: {  	s13 =	sor.u32 $0x1C01, s13;
	s30 =	sshrl.u32 s29, $0x1;
	s31 =	sshrl.u32 s9, $0x2  }
0x9: {  	s5 =	sadd.s32 s5, s8;
	s8 =	simm.s32 $0x2800;
	s6 =	sadd.s32 s7, s6  }
0xa: {  	s9 =	simm.s32 $0x1;
	s7 =	ssub.s32 s29, s30;
	s6 =	sshrl.u32 s6, $0x3  }
0xb: {  	s5 =	sadd.s32 $0x2800, s5;
	s6 =	sadd.s32 s6, s4;
	s4 =	sadd.s32 s31, s2  }
0xc: {  	v0 =	vimm.f32 $0.0e+00;
	v1 =	vimm.f32 $1.000000000e+00;
	s7 =	smax.u32 s7, $0x1;
	s6 =	sadd.s32 $0x12800, s6;
	s14 =	sshrl.u32 s4, $0x3  }
.LBB2_1:
0xd: {  	[tilespmem:$0x2800] =	vst v0  }
0xe: {  	[tilespmem:$0x2880] =	vst v0  }
0xf: {  	[tilespmem:$0x2900] =	vst v0  }
0x10: {  	[tilespmem:$0x2980] =	vst v0  }
0x11: {  	[tilespmem:$0x2A00] =	vst v0  }
0x12: {  	[tilespmem:$0x2A80] =	vst v0  }
0x13: {  	[tilespmem:$0x2B00] =	vst v0  }
0x14: {  	[tilespmem:$0x2B80] =	vst v0  }
0x15: {  	[tilespmem:$0x2C00] =	vst v0  }
0x16: {  	[tilespmem:$0x2C80] =	vst v0  }
0x17: {  	[tilespmem:$0x2D00] =	vst v0  }
0x18: {  	[tilespmem:$0x2D80] =	vst v0  }
0x19: {  	[tilespmem:$0x2E00] =	vst v0  }
0x1a: {  	[tilespmem:$0x2E80] =	vst v0  }
0x1b: {  	[tilespmem:$0x2F00] =	vst v0  }
0x1c: {  	[tilespmem:$0x2F80] =	vst v0;
	s15 =	sadd.s32 $0x0, s4  }
0x1d: {  	[spmem:s15] =	stream.linear.scatter [tilespmem:s8], [sflag:$0x1], $0x800, $0x38;
	[tilespmem:$0x9800] =	vst v63  }
0x1e: {  	s15 =	simm.s32 $0x2000;
	_ =	swait.ge [sflag:s9], $0x800  }
.LBB2_2:
0x1f: {  	s16 =	sshra.s32 s15, $0x2;
	[sflag:s9] =	ssyncset.done $0x0;
	p0 =	sne.s32 s15, $0x4E000  }
.Ltmp0:
0x20: {  	s16 =	sadd.s32 s16, s4;
	[sflag:s9] =	ssyncadd.s32 $0xFFFFF800;
	(pc) =	sbr.rel @p0 .LBB2_2-.Ltmp0, $3  }
0x21: {  	[spmem:s16] =	stream.linear.scatter [tilespmem:s8], [sflag:$0x1], $0x800, $0x38;
	[tilespmem:$0x9800] =	vst v63  }
0x22: {  	s15 =	sadd.s32 $0x2000, s15;
	_ =	sdelay $0x1  }
0x23: {  	_ =	swait.ge [sflag:s9], $0x800  }
0x24: {  	[sflag:s9] =	ssyncset.done $0x0  }
0x25: {  	s15 =	simm.s32 $0x200;
	s16 =	simm.s32 $0x0;
	[sflag:s9] =	ssyncadd.s32 $0xFFFFF800  }
.LBB2_4:
0x26: {  	p0 =	sne.s32 s15, $0x9E00;
	[tilespmem:s16+$0x3000] =	vst v1;
	s16 =	smov.u32 s15;
	s15 =	sadd.s32 $0x200, s15  }
.Ltmp1:
0x27: {  	(pc) =	sbr.rel @p0 .LBB2_4-.Ltmp1, $2  }
0x28: {  	_ =	sdelay $0x2  }
0x29: {  	s16 =	sshra.s32 s16, $0x2  }
0x2a: {  	[tilespmem:s16+$0x3000] =	vst v1;
	s15 =	simm.s32 $0x0  }
0x2b: {  	[tilespmem:s10], [sflag:$0x1] =	stream.linear.gather [hbm4b:s5+s15], $0x3E80, $0x38;
	[tilespmem:$0x9800] =	vst v63  }
0x2c: {  	_ =	swait.ge [sflag:s9], $0x3E80  }
0x2d: {  	[sflag:s9] =	ssyncset.done $0x0  }
0x2e: {  	[sflag:s9] =	ssyncadd.s32 $0xFFFFC180  }
0x2f: {  	s31 =	simm.s32 $0x5800;
	[bflag:$0x0] =	sbarrier.arrive $0xFFFF  }
0x30: {  	[spmem:s2] =	stream.indirect.scatter.add.f32 [tilespmem:s12], [sflag:$0x1], $0x10, s31, s11, $0xb8;
	[tilespmem:$0x9800] =	vst v63  }
0x31: {  	s15 =	simm.s32 $0x200;
	_ =	swait.ge [sflag:s9], $0x500  }
.LBB2_6:
0x32: {  	s16 =	sshra.s32 s15, $0x2;
	[sflag:s9] =	ssyncset.done $0x0;
	p0 =	sne.s32 s15, $0xF800  }
.Ltmp2:
0x33: {  	s16 =	sadd.s32 $0x5800, s16;
	[sflag:s9] =	ssyncadd.s32 $0xFFFFFB00;
	(pc) =	sbr.rel @p0 .LBB2_6-.Ltmp2, $3  }
0x34: {  	[spmem:s2] =	stream.indirect.scatter.add.f32 [tilespmem:s12], [sflag:$0x1], $0x10, s16, s11, $0xb8;
	[tilespmem:$0x9800] =	vst v63  }
0x35: {  	s15 =	sadd.s32 $0x200, s15;
	_ =	sdelay $0x1  }
0x36: {  	_ =	swait.ge [sflag:s9], $0x500  }
0x37: {  	[sflag:s9] =	ssyncset.done $0x0;
	s3 =	sadd.s32 $0x1, s3  }
0x38: {  	[sflag:s9] =	ssyncadd.s32 $0xFFFFFB00;
	p0 =	sne.s32 s3, s7  }
.Ltmp3:
0x39: {  	[bflag:$0x0] =	sbarrier.arrive $0xFFFF;
	(pc) =	sbr.rel @p0 .LBB2_1-.Ltmp3, $4  }
0x3a: {  	[hbm:s6], [sflag:s13] =	dma.local [spmem:s14], $0x2800  }
0x3b: {  	_ =	swait.ge [sflag:s9], $0x2800  }
0x3c: {  	[sflag:s9] =	ssyncset.done $0x0  }
0x3d: {  	[sflag:s9] =	ssyncadd.s32 $0xFFFFD800  }
0x3e: {  	_ =	sfence.sel $0x180000  }
0x3f: {  	[bflag:$0x0] =	sbarrier.arrive $0xFFFF  }
0x40: {  	p0 =	sne.s32 s1, $0x0;
	_ =	strace $0x90000047  }
0x41: {  	s0 =	sadd.s32 @!p0 $0x100000, s0;
	[bflag:$0x2] =	sbarrier.arrive $0xFFFF  }
0x42: {  	[sflag:s0] =	ssyncadd.tile.s32 @!p0 $0x1;
	_ =	shalt  }
.Lfunc_end2:
_tile_overlayer_lowered:
.L_overlay_start_2:
0x43: {  	(tag) =	ssettag $0x2  }
0x44: {  	s0 =	rddreg [dreg:$0x0];
	s2 =	stileid.u32  }
0x45: {  	s1 =	rddreg [dreg:$0x1];
	p0 =	sne.s32 s2, $0x0  }
0x46: {  	s3 =	rddreg [dreg:$0x2];
	[bflag:$0x3] =	sbarrier.arrive $0xFFFF;
	s2 =	simm.s32 @!p0 $0x1C01  }
0x47: {  	[timem:s3], [sflag:s2] =	dma.local @!p0 [hbm:s0], s1  }
0x48: {  	s0 =	simm.s32 @!p0 $0x1  }
0x49: {  	_ =	swait.ge @!p0 [sflag:s0], s1  }
0x4a: {  	s1 =	ssub.s32 @!p0 $0x0, s1;
	[sflag:s0] =	ssyncset.done @!p0 $0x0  }
0x4b: {  	[sflag:s0] =	ssyncadd.s32 @!p0 s1  }
0x4c: {  	[bflag:$0x3] =	sbarrier.arrive $0xFFFF  }
0x4d: {  	_ =	shalt  }

</sc_bundles>
